<compile_context>
chip_gen: v7x
topology: tpu7x:2x2x1
jax: 0.10.2.dev20260603
libtpu: 0.0.44.dev20260713+nightly
codegen_flags: <defaults>
</compile_context>

<pallas_src>
import functools

import jax
import jax.numpy as jnp
from jax import lax
from jax.experimental import pallas as pl
from jax.experimental.pallas import tpu as pltpu
from jax.experimental.pallas import tpu_sc as plsc

_N = 10000
_E = 320000
_G = 64
NC = 2
NS = 16
L = 16
W8 = 8
NW = NC * NS
EPW = _E // NW
NP2 = 10112
NPT = NP2 // NS

_HIGH = lax.Precision.HIGHEST


def _make_agg(D, CH, nbuf):
    K = EPW // CH
    mesh = plsc.VectorSubcoreMesh(core_axis_name="c", subcore_axis_name="s")

    if nbuf == 2:
        scratch = [
            pltpu.VMEM((K, CH), jnp.int32),
            pltpu.VMEM((K, CH), jnp.int32),
        ]
    else:
        scratch = [
            pltpu.VMEM((K, CH), jnp.int32),
            pltpu.VMEM((1, CH), jnp.int32),
            pltpu.VMEM((1, CH), jnp.int32),
            pltpu.SemaphoreType.DMA,
            pltpu.SemaphoreType.DMA,
        ]
    scratch += [pltpu.VMEM((CH, D), jnp.float32) for _ in range(2)]
    scratch += [pltpu.VMEM_SHARED((NP2, D), jnp.float32)]
    scratch += [pltpu.SemaphoreType.DMA for _ in range(2)]

    @functools.partial(
        pl.kernel,
        out_type=jax.ShapeDtypeStruct((NC, NP2, D), jnp.float32),
        mesh=mesh,
        compiler_params=pltpu.CompilerParams(use_tc_tiling_on_sc=(D == 128)),
        scratch_types=scratch,
    )
    def agg(tab, src3, dst3, zrows, out, idx_s, *bufs):
        if nbuf == 2:
            idx_d, rows0, rows1, acc, g0, g1 = bufs
        else:
            db0, db1, sd0, sd1, rows0, rows1, acc, g0, g1 = bufs
        c = lax.axis_index("c")
        s = lax.axis_index("s")
        wid = s * NC + c

        pltpu.sync_copy(zrows, acc.at[pl.ds(s * NPT, NPT)])
        pltpu.sync_copy(src3.at[wid], idx_s)
        if nbuf == 2:
            pltpu.sync_copy(dst3.at[wid], idx_d)
        plsc.subcore_barrier()
        if nbuf == 2:
            pltpu.async_copy(tab.at[idx_s.at[0]], rows0, g0)
            pltpu.async_copy(tab.at[idx_s.at[1]], rows1, g1)
        else:
            pltpu.async_copy(dst3.at[wid, pl.ds(0, 1)], db0, sd0)
            pltpu.async_copy(tab.at[idx_s.at[0]], rows0, g0)
            pltpu.async_copy(dst3.at[wid, pl.ds(1, 1)], db1, sd1)
            pltpu.async_copy(tab.at[idx_s.at[1]], rows1, g1)

        if nbuf == 2:
            def body(i, carry):
                j0 = 2 * i
                j1 = 2 * i + 1
                pltpu.make_async_copy(tab.at[idx_s.at[0]], rows0, g0).wait()
                pltpu.sync_copy(rows0, acc.at[idx_d.at[j0]], add=True)

                @pl.when(j0 + 2 < K)
                def _():
                    pltpu.async_copy(tab.at[idx_s.at[j0 + 2]], rows0, g0)

                pltpu.make_async_copy(tab.at[idx_s.at[0]], rows1, g1).wait()
                pltpu.sync_copy(rows1, acc.at[idx_d.at[j1]], add=True)

                @pl.when(j1 + 2 < K)
                def _():
                    pltpu.async_copy(tab.at[idx_s.at[j1 + 2]], rows1, g1)

                return carry

            lax.fori_loop(0, K // 2, body, 0)
        else:
            def body(i, carry):
                j0 = 2 * i
                j1 = 2 * i + 1
                pltpu.make_async_copy(dst3.at[wid, pl.ds(0, 1)], db0, sd0).wait()
                pltpu.make_async_copy(tab.at[idx_s.at[0]], rows0, g0).wait()
                pltpu.sync_copy(rows0, acc.at[db0.at[0]], add=True)

                @pl.when(j0 + 2 < K)
                def _():
                    pltpu.async_copy(dst3.at[wid, pl.ds(j0 + 2, 1)], db0, sd0)
                    pltpu.async_copy(tab.at[idx_s.at[j0 + 2]], rows0, g0)

                pltpu.make_async_copy(dst3.at[wid, pl.ds(1, 1)], db1, sd1).wait()
                pltpu.make_async_copy(tab.at[idx_s.at[0]], rows1, g1).wait()
                pltpu.sync_copy(rows1, acc.at[db1.at[0]], add=True)

                @pl.when(j1 + 2 < K)
                def _():
                    pltpu.async_copy(dst3.at[wid, pl.ds(j1 + 2, 1)], db1, sd1)
                    pltpu.async_copy(tab.at[idx_s.at[j1 + 2]], rows1, g1)

                return carry

            lax.fori_loop(0, K // 2, body, 0)

        plsc.subcore_barrier()
        pltpu.sync_copy(acc.at[pl.ds(s * NPT, NPT)],
                        out.at[c, pl.ds(s * NPT, NPT)])

    return agg


CH8 = 125
CH128 = 125
_AGG128 = _make_agg(128, CH128, 1)


def _make_deg(CH):
    K = EPW // CH
    mesh = plsc.VectorSubcoreMesh(core_axis_name="c", subcore_axis_name="s")

    @functools.partial(
        pl.kernel,
        out_type=jax.ShapeDtypeStruct((NC, NP2, W8), jnp.float32),
        mesh=mesh,
        compiler_params=pltpu.CompilerParams(use_tc_tiling_on_sc=False),
        scratch_types=[
            pltpu.VMEM((K, CH), jnp.int32),
            pltpu.VMEM((CH, W8), jnp.float32),
            pltpu.VMEM_SHARED((NP2, W8), jnp.float32),
        ],
    )
    def deg(ones_ch, dst3, zrows, out, idx_d, rows, acc):
        c = lax.axis_index("c")
        s = lax.axis_index("s")
        wid = s * NC + c

        pltpu.sync_copy(dst3.at[wid], idx_d)
        pltpu.sync_copy(ones_ch, rows)
        pltpu.sync_copy(zrows, acc.at[pl.ds(s * NPT, NPT)])
        plsc.subcore_barrier()

        def body(i, carry):
            pltpu.sync_copy(rows, acc.at[idx_d.at[i]], add=True)
            return carry

        lax.fori_loop(0, K, body, 0)
        plsc.subcore_barrier()
        pltpu.sync_copy(acc.at[pl.ds(s * NPT, NPT)],
                        out.at[c, pl.ds(s * NPT, NPT)])

    return deg


_DEG = _make_deg(CH8)


def _tc_pre(degp, x, w1):
    def body(dp, xr, wr, dinv_o, q_o):
        d8 = (dp[0] + dp[1])[:_N]
        deg = d8[:, 0:1] + 1.0
        dinv = lax.rsqrt(deg)
        dinv_o[...] = dinv
        q_o[...] = dinv * jnp.dot(xr[...], wr[...],
                                  preferred_element_type=jnp.float32)

    return pl.pallas_call(
        body,
        out_shape=(jax.ShapeDtypeStruct((_N, 1), jnp.float32),
                   jax.ShapeDtypeStruct((_N, 128), jnp.float32)),
    )(degp, x, w1)


def _tc_mid(p, q_prev, dinv, b_prev, w_next):
    def body(pr, qr, dr, br, wr, o):
        a = (pr[0] + pr[1])[:_N] + qr[...]
        h = jnp.maximum(dr[...] * a + br[...], 0.0)
        o[...] = dr[...] * jnp.dot(h, wr[...],
                                   preferred_element_type=jnp.float32)

    return pl.pallas_call(
        body,
        out_shape=jax.ShapeDtypeStruct((_N, 128), jnp.float32),
    )(p, q_prev, dinv, b_prev, w_next)


def _tc_final(p, g_prev, dinv, b, wfc, bfc, batch2):
    def body(pr, gr, dr, br, wf, bf, bt, o):
        a = (pr[0] + pr[1])[:_N] + gr[...]
        h = jnp.maximum(dr[...] * a + br[...], 0.0)
        gid = lax.broadcasted_iota(jnp.int32, (1, _G), 1)
        oh = (bt[...] == gid).astype(jnp.float32)
        sums = lax.dot_general(oh, h, (((0,), (0,)), ((), ())),
                               preferred_element_type=jnp.float32,
                               precision=_HIGH)
        counts = jnp.sum(oh, axis=0)[:, None]
        pooled = sums / jnp.maximum(counts, 1.0)
        o[...] = jnp.dot(pooled, wf[...],
                         preferred_element_type=jnp.float32) + bf[...]

    return pl.pallas_call(
        body,
        out_shape=jax.ShapeDtypeStruct((_G, wfc.shape[1]), jnp.float32),
    )(p, g_prev, dinv, b, wfc, bfc, batch2)


def kernel(x, edge_index, batch, W1, b1, W2, b2, W3, b3, Wfc, bfc):
    dst8 = edge_index[1].reshape(NW, EPW // CH8, CH8)
    src128 = edge_index[0].reshape(NW, EPW // CH128, CH128)
    dst128 = edge_index[1].reshape(NW, EPW // CH128, CH128)
    batch2 = batch.reshape(_N, 1)
    b1r = b1.reshape(1, -1)
    b2r = b2.reshape(1, -1)
    b3r = b3.reshape(1, -1)
    bfcr = bfc.reshape(1, -1)
    z8 = jnp.zeros((NPT, W8), jnp.float32)
    z128 = jnp.zeros((NPT, 128), jnp.float32)

    ones_ch = jnp.ones((CH8, W8), jnp.float32)

    pdeg = _DEG(ones_ch, dst8, z8)
    dinv, q1 = _tc_pre(pdeg, x, W1)
    p1 = _AGG128(q1, src128, dst128, z128)
    q2 = _tc_mid(p1, q1, dinv, b1r, W2)
    p2 = _AGG128(q2, src128, dst128, z128)
    q3 = _tc_mid(p2, q2, dinv, b2r, W3)
    p3 = _AGG128(q3, src128, dst128, z128)
    return _tc_final(p3, q3, dinv, b3r, Wfc, bfcr, batch2)

# --- scband reference (transcript-rebuilt; emitter-appended) ---
"""Pipeline reference for scband-gnn-35218731827641 (READ-ONLY COPY).

The authoritative reference and input builder live on the scoring server;
editing this copy changes nothing except your own understanding.
"""

import jax, jax.numpy as jnp
import numpy as np

N = 10000
E = 320000
G = 64

def gcn_conv(x, edge_index, W, b):
    # PyG GCNConv: h = x @ W, add self-loops, symmetric normalization, scatter-add, + bias
    h = x @ W
    src = edge_index[0]
    dst = edge_index[1]
    loop = jnp.arange(N, dtype=src.dtype)
    src = jnp.concatenate([src, loop])
    dst = jnp.concatenate([dst, loop])
    deg = jnp.zeros((N,), h.dtype).at[dst].add(1.0)
    dinv = jax.lax.rsqrt(jnp.clip(deg, 1.0, None))
    norm = dinv[src] * dinv[dst]
    msg = h[src] * norm[:, None]
    out = jnp.zeros((N, h.shape[1]), h.dtype).at[dst].add(msg)
    return out + b

def setup_inputs(seed: int = 0):
    key = jax.random.key(seed)
    ks = jax.random.split(key, 12)
    x = jax.random.normal(ks[0], (N, 3), dtype=jnp.float32)
    edge_index = jax.random.randint(ks[1], (2, E), 0, N, dtype=jnp.int32)
    batch = jnp.sort(jax.random.randint(ks[2], (N,), 0, G, dtype=jnp.int32))
    W1 = jax.random.normal(ks[3], (3, 128), dtype=jnp.float32) * (1.0 / np.sqrt(3))
    b1 = jnp.zeros((128,), jnp.float32)
    W2 = jax.random.normal(ks[4], (128, 128), dtype=jnp.float32) * (1.0 / np.sqrt(128))
    b2 = jnp.zeros((128,), jnp.float32)
    W3 = jax.random.normal(ks[5], (128, 128), dtype=jnp.float32) * (1.0 / np.sqrt(128))
    b3 = jnp.zeros((128,), jnp.float32)
    Wfc = jax.random.normal(ks[6], (128, 2), dtype=jnp.float32) * (1.0 / np.sqrt(128))
    bfc = jnp.zeros((2,), jnp.float32)
    return {"x": x, "edge_index": edge_index, "batch": batch,
            "W1": W1, "b1": b1, "W2": W2, "b2": b2, "W3": W3, "b3": b3,
            "Wfc": Wfc, "bfc": bfc}

def reference(x, edge_index, batch, W1, b1, W2, b2, W3, b3, Wfc, bfc):
    # eval mode: dropout is identity
    h = jax.nn.relu(gcn_conv(x, edge_index, W1, b1))
    h = jax.nn.relu(gcn_conv(h, edge_index, W2, b2))
    h = jax.nn.relu(gcn_conv(h, edge_index, W3, b3))
    sums = jax.ops.segment_sum(h, batch, num_segments=G)
    counts = jax.ops.segment_sum(jnp.ones((N,), h.dtype), batch, num_segments=G)
    pooled = sums / jnp.clip(counts, 1.0, None)[:, None]
    return pooled @ Wfc + bfc

if __name__ == "__main__":
    import jax
    _d = setup_inputs()
    print(jax.jit(kernel)(*tuple(_d.values())))

</pallas_src>

<mosaic_0001>
#map = affine_map<(d0, d1) -> (0, 0)>
#map1 = affine_map<(d0, d1) -> (0, 0, 0)>
module attributes {stable_mosaic.version = 14 : i64} {
  func.func @deg(%arg0: i32, %arg1: i32, %arg2: memref<125x8xf32, #tpu.memory_space<hbm>>, %arg3: memref<32x80x125xi32, #tpu.memory_space<hbm>>, %arg4: memref<632x8xf32, #tpu.memory_space<hbm>>, %arg5: memref<2x10112x8xf32, #tpu.memory_space<hbm>>, %arg6: memref<80x125xi32, #tpu.memory_space<vmem>>, %arg7: memref<125x8xf32, #tpu.memory_space<vmem>>, %arg8: memref<10112x8xf32, #tpu.memory_space<vmem_shared>>) attributes {dimension_semantics = [#tpu.dimension_semantics<core_parallel>, #tpu.dimension_semantics<subcore_parallel>], iteration_bounds = array<i64: 2, 16>, scalar_prefetch = 0 : i64, scratch_operands = 3 : i64, tpu.core_type = #tpu.core_type<sc_vector_subcore>, window_params = [{transform_indices = #map}, {transform_indices = #map1}, {transform_indices = #map}, {transform_indices = #map1}]} {
    %mul3A = arith.constant 2 : i32
    %mul3A_0 = arith.muli %arg1, %mul3A : i32
    %add3A = arith.addi %mul3A_0, %arg0 : i32
    "tpu.region"() ({
      %run_scoped3A = tpu.sem_alloc : memref<!tpu.dma_semaphore, #tpu.memory_space<semaphore_mem>>
      %dma_start3A = arith.constant 0 : i32
      %dma_start3A_13 = arith.constant 0 : i32
      %dma_start3A_14 = tpu.memref_slice %arg3[%add3A, %dma_start3A, %dma_start3A_13] : memref<32x80x125xi32, #tpu.memory_space<hbm>> -> memref<1x80x125xi32, #tpu.memory_space<hbm>>
      %dma_start3A_15 = tpu.memref_squeeze %dma_start3A_14 : memref<1x80x125xi32, #tpu.memory_space<hbm>> -> memref<80x125xi32, #tpu.memory_space<hbm>>
      %dma_start3A_16 = arith.constant 0 : i32
      %dma_start3A_17 = arith.constant 0 : i32
      %dma_start3A_18 = tpu.memref_slice %arg3[%add3A, %dma_start3A_16, %dma_start3A_17] : memref<32x80x125xi32, #tpu.memory_space<hbm>> -> memref<1x80x125xi32, #tpu.memory_space<hbm>>
      %dma_start3A_19 = tpu.memref_squeeze %dma_start3A_18 : memref<1x80x125xi32, #tpu.memory_space<hbm>> -> memref<80x125xi32, #tpu.memory_space<hbm>>
      tpu.enqueue_dma source(%dma_start3A_19 : memref<80x125xi32, #tpu.memory_space<hbm>>) target(%arg6 : memref<80x125xi32, #tpu.memory_space<vmem>>) target_semaphore(%run_scoped3A : memref<!tpu.dma_semaphore, #tpu.memory_space<semaphore_mem>>)
      %dma_wait3A = arith.constant 0 : i32
      %dma_wait3A_20 = arith.constant 0 : i32
      %dma_wait3A_21 = tpu.memref_slice %arg3[%add3A, %dma_wait3A, %dma_wait3A_20] : memref<32x80x125xi32, #tpu.memory_space<hbm>> -> memref<1x80x125xi32, #tpu.memory_space<hbm>>
      %dma_wait3A_22 = tpu.memref_squeeze %dma_wait3A_21 : memref<1x80x125xi32, #tpu.memory_space<hbm>> -> memref<80x125xi32, #tpu.memory_space<hbm>>
      %dma_wait3A_23 = arith.constant 0 : i32
      %dma_wait3A_24 = arith.constant 0 : i32
      %dma_wait3A_25 = tpu.memref_slice %arg3[%add3A, %dma_wait3A_23, %dma_wait3A_24] : memref<32x80x125xi32, #tpu.memory_space<hbm>> -> memref<1x80x125xi32, #tpu.memory_space<hbm>>
      %dma_wait3A_26 = tpu.memref_squeeze %dma_wait3A_25 : memref<1x80x125xi32, #tpu.memory_space<hbm>> -> memref<80x125xi32, #tpu.memory_space<hbm>>
      tpu.wait_dma2 semaphore(%run_scoped3A : memref<!tpu.dma_semaphore, #tpu.memory_space<semaphore_mem>>) src(%dma_wait3A_26 : memref<80x125xi32, #tpu.memory_space<hbm>>) dst(%arg6 : memref<80x125xi32, #tpu.memory_space<vmem>>)
      tpu.yield
    }) : () -> ()
    "tpu.region"() ({
      %run_scoped3A = tpu.sem_alloc : memref<!tpu.dma_semaphore, #tpu.memory_space<semaphore_mem>>
      tpu.enqueue_dma source(%arg2 : memref<125x8xf32, #tpu.memory_space<hbm>>) target(%arg7 : memref<125x8xf32, #tpu.memory_space<vmem>>) target_semaphore(%run_scoped3A : memref<!tpu.dma_semaphore, #tpu.memory_space<semaphore_mem>>)
      tpu.wait_dma2 semaphore(%run_scoped3A : memref<!tpu.dma_semaphore, #tpu.memory_space<semaphore_mem>>) src(%arg2 : memref<125x8xf32, #tpu.memory_space<hbm>>) dst(%arg7 : memref<125x8xf32, #tpu.memory_space<vmem>>)
      tpu.yield
    }) : () -> ()
    %mul3A_1 = arith.constant 632 : i32
    %mul3A_2 = arith.muli %arg1, %mul3A_1 : i32
    "tpu.region"() ({
      %run_scoped3A = tpu.sem_alloc : memref<!tpu.dma_semaphore, #tpu.memory_space<semaphore_mem>>
      %dma_start3A = arith.constant 0 : i32
      %dma_start3A_13 = tpu.memref_slice %arg8[%mul3A_2, %dma_start3A] : memref<10112x8xf32, #tpu.memory_space<vmem_shared>> -> memref<632x8xf32, #tpu.memory_space<vmem_shared>>
      tpu.enqueue_dma source(%arg4 : memref<632x8xf32, #tpu.memory_space<hbm>>) target(%dma_start3A_13 : memref<632x8xf32, #tpu.memory_space<vmem_shared>>) target_semaphore(%run_scoped3A : memref<!tpu.dma_semaphore, #tpu.memory_space<semaphore_mem>>)
      %dma_wait3A = arith.constant 0 : i32
      %dma_wait3A_14 = tpu.memref_slice %arg8[%mul3A_2, %dma_wait3A] : memref<10112x8xf32, #tpu.memory_space<vmem_shared>> -> memref<632x8xf32, #tpu.memory_space<vmem_shared>>
      tpu.wait_dma2 semaphore(%run_scoped3A : memref<!tpu.dma_semaphore, #tpu.memory_space<semaphore_mem>>) src(%arg4 : memref<632x8xf32, #tpu.memory_space<hbm>>) dst(%dma_wait3A_14 : memref<632x8xf32, #tpu.memory_space<vmem_shared>>)
      tpu.yield
    }) : () -> ()
    %barrier3A = arith.constant 0 : index
    tpu.barrier barrier_id(%barrier3A)
    %scan3A = arith.constant 0 : i32
    %scan3A_3 = arith.constant 0 : i32
    %scan3A_4 = arith.constant 80 : i32
    %scan3A_5 = arith.addi %scan3A_3, %scan3A_4 : i32
    %scan3A_6 = arith.constant 1 : i32
    scf.for %scan3A_13 = %scan3A_3 to %scan3A_5 step %scan3A_6  : i32 {
      "tpu.region"() ({
        %run_scoped3A = tpu.sem_alloc : memref<!tpu.dma_semaphore, #tpu.memory_space<semaphore_mem>>
        %dma_start3A = arith.constant 0 : i32
        %dma_start3A_14 = tpu.memref_slice %arg6[%scan3A_13, %dma_start3A] : memref<80x125xi32, #tpu.memory_space<vmem>> -> memref<1x125xi32, #tpu.memory_space<vmem>>
        %dma_start3A_15 = tpu.memref_squeeze %dma_start3A_14 : memref<1x125xi32, #tpu.memory_space<vmem>> -> memref<125xi32, #tpu.memory_space<vmem>>
        %dma_start3A_16 = arith.constant 0 : i32
        %dma_start3A_17 = arith.constant 0 : i32
        %dma_start3A_18 = tpu.memref_slice %arg8[%dma_start3A_16, %dma_start3A_17] : memref<10112x8xf32, #tpu.memory_space<vmem_shared>> -> memref<10112x8xf32, #tpu.memory_space<vmem_shared>>
        tpu.enqueue_indirect_dma source(%arg7 : memref<125x8xf32, #tpu.memory_space<vmem>>) target(%dma_start3A_18 : memref<10112x8xf32, #tpu.memory_space<vmem_shared>>) offsets(%dma_start3A_15 : memref<125xi32, #tpu.memory_space<vmem>>) semaphore(%run_scoped3A : memref<!tpu.dma_semaphore, #tpu.memory_space<semaphore_mem>>) {add = true}
        %dma_wait3A = arith.constant 0 : i32
        %dma_wait3A_19 = tpu.memref_slice %arg6[%scan3A_13, %dma_wait3A] : memref<80x125xi32, #tpu.memory_space<vmem>> -> memref<1x125xi32, #tpu.memory_space<vmem>>
        %dma_wait3A_20 = tpu.memref_squeeze %dma_wait3A_19 : memref<1x125xi32, #tpu.memory_space<vmem>> -> memref<125xi32, #tpu.memory_space<vmem>>
        %dma_wait3A_21 = arith.constant 0 : i32
        %dma_wait3A_22 = arith.constant 0 : i32
        %dma_wait3A_23 = tpu.memref_slice %arg8[%dma_wait3A_21, %dma_wait3A_22] : memref<10112x8xf32, #tpu.memory_space<vmem_shared>> -> memref<10112x8xf32, #tpu.memory_space<vmem_shared>>
        tpu.wait_indirect_dma semaphore(%run_scoped3A : memref<!tpu.dma_semaphore, #tpu.memory_space<semaphore_mem>>) src(%arg7 : memref<125x8xf32, #tpu.memory_space<vmem>>) dst(%dma_wait3A_23 : memref<10112x8xf32, #tpu.memory_space<vmem_shared>>)
        tpu.yield
      }) : () -> ()
    }
    %scan3A_7 = arith.constant 80 : i32
    %barrier3A_8 = arith.constant 0 : index
    tpu.barrier barrier_id(%barrier3A_8)
    %mul3A_9 = arith.constant 632 : i32
    %mul3A_10 = arith.muli %arg1, %mul3A_9 : i32
    %mul3A_11 = arith.constant 632 : i32
    %mul3A_12 = arith.muli %arg1, %mul3A_11 : i32
    "tpu.region"() ({
      %run_scoped3A = tpu.sem_alloc : memref<!tpu.dma_semaphore, #tpu.memory_space<semaphore_mem>>
      %dma_start3A = arith.constant 0 : i32
      %dma_start3A_13 = tpu.memref_slice %arg5[%arg0, %mul3A_12, %dma_start3A] : memref<2x10112x8xf32, #tpu.memory_space<hbm>> -> memref<1x632x8xf32, #tpu.memory_space<hbm>>
      %dma_start3A_14 = tpu.memref_squeeze %dma_start3A_13 : memref<1x632x8xf32, #tpu.memory_space<hbm>> -> memref<632x8xf32, #tpu.memory_space<hbm>>
      %dma_start3A_15 = arith.constant 0 : i32
      %dma_start3A_16 = tpu.memref_slice %arg8[%mul3A_10, %dma_start3A_15] : memref<10112x8xf32, #tpu.memory_space<vmem_shared>> -> memref<632x8xf32, #tpu.memory_space<vmem_shared>>
      tpu.enqueue_dma source(%dma_start3A_16 : memref<632x8xf32, #tpu.memory_space<vmem_shared>>) target(%dma_start3A_14 : memref<632x8xf32, #tpu.memory_space<hbm>>) target_semaphore(%run_scoped3A : memref<!tpu.dma_semaphore, #tpu.memory_space<semaphore_mem>>)
      %dma_wait3A = arith.constant 0 : i32
      %dma_wait3A_17 = tpu.memref_slice %arg5[%arg0, %mul3A_12, %dma_wait3A] : memref<2x10112x8xf32, #tpu.memory_space<hbm>> -> memref<1x632x8xf32, #tpu.memory_space<hbm>>
      %dma_wait3A_18 = tpu.memref_squeeze %dma_wait3A_17 : memref<1x632x8xf32, #tpu.memory_space<hbm>> -> memref<632x8xf32, #tpu.memory_space<hbm>>
      %dma_wait3A_19 = arith.constant 0 : i32
      %dma_wait3A_20 = tpu.memref_slice %arg8[%mul3A_10, %dma_wait3A_19] : memref<10112x8xf32, #tpu.memory_space<vmem_shared>> -> memref<632x8xf32, #tpu.memory_space<vmem_shared>>
      tpu.wait_dma2 semaphore(%run_scoped3A : memref<!tpu.dma_semaphore, #tpu.memory_space<semaphore_mem>>) src(%dma_wait3A_20 : memref<632x8xf32, #tpu.memory_space<vmem_shared>>) dst(%dma_wait3A_18 : memref<632x8xf32, #tpu.memory_space<hbm>>)
      tpu.yield
    }) : () -> ()
    return
  }
}

#map = affine_map<(d0, d1) -> (0, 0)>
#map1 = affine_map<(d0, d1) -> (0, 0, 0)>
module attributes {stable_mosaic.version = 14 : i64} {
  func.func @agg(%arg0: i32, %arg1: i32, %arg2: memref<10000x128xf32, #tpu.memory_space<hbm>>, %arg3: memref<32x80x125xi32, #tpu.memory_space<hbm>>, %arg4: memref<32x80x125xi32, #tpu.memory_space<hbm>>, %arg5: memref<632x128xf32, #tpu.memory_space<hbm>>, %arg6: memref<2x10112x128xf32, #tpu.memory_space<hbm>>, %arg7: memref<80x125xi32, #tpu.memory_space<vmem>>, %arg8: memref<1x125xi32, #tpu.memory_space<vmem>>, %arg9: memref<1x125xi32, #tpu.memory_space<vmem>>, %arg10: memref<!tpu.dma_semaphore, #tpu.memory_space<semaphore_mem>>, %arg11: memref<!tpu.dma_semaphore, #tpu.memory_space<semaphore_mem>>, %arg12: memref<125x128xf32, #tpu.memory_space<vmem>>, %arg13: memref<125x128xf32, #tpu.memory_space<vmem>>, %arg14: memref<10112x128xf32, #tpu.memory_space<vmem_shared>>, %arg15: memref<!tpu.dma_semaphore, #tpu.memory_space<semaphore_mem>>, %arg16: memref<!tpu.dma_semaphore, #tpu.memory_space<semaphore_mem>>) attributes {dimension_semantics = [#tpu.dimension_semantics<core_parallel>, #tpu.dimension_semantics<subcore_parallel>], iteration_bounds = array<i64: 2, 16>, scalar_prefetch = 0 : i64, scratch_operands = 10 : i64, tpu.core_type = #tpu.core_type<sc_vector_subcore>, window_params = [{transform_indices = #map}, {transform_indices = #map1}, {transform_indices = #map1}, {transform_indices = #map}, {transform_indices = #map1}]} {
    %mul3A = arith.constant 2 : i32
    %mul3A_0 = arith.muli %arg1, %mul3A : i32
    %add3A = arith.addi %mul3A_0, %arg0 : i32
    %mul3A_1 = arith.constant 632 : i32
    %mul3A_2 = arith.muli %arg1, %mul3A_1 : i32
    "tpu.region"() ({
      %run_scoped3A = tpu.sem_alloc : memref<!tpu.dma_semaphore, #tpu.memory_space<semaphore_mem>>
      %dma_start3A_42 = arith.constant 0 : i32
      %dma_start3A_43 = tpu.memref_slice %arg14[%mul3A_2, %dma_start3A_42] : memref<10112x128xf32, #tpu.memory_space<vmem_shared>> -> memref<632x128xf32, #tpu.memory_space<vmem_shared>>
      tpu.enqueue_dma source(%arg5 : memref<632x128xf32, #tpu.memory_space<hbm>>) target(%dma_start3A_43 : memref<632x128xf32, #tpu.memory_space<vmem_shared>>) target_semaphore(%run_scoped3A : memref<!tpu.dma_semaphore, #tpu.memory_space<semaphore_mem>>)
      %dma_wait3A = arith.constant 0 : i32
      %dma_wait3A_44 = tpu.memref_slice %arg14[%mul3A_2, %dma_wait3A] : memref<10112x128xf32, #tpu.memory_space<vmem_shared>> -> memref<632x128xf32, #tpu.memory_space<vmem_shared>>
      tpu.wait_dma2 semaphore(%run_scoped3A : memref<!tpu.dma_semaphore, #tpu.memory_space<semaphore_mem>>) src(%arg5 : memref<632x128xf32, #tpu.memory_space<hbm>>) dst(%dma_wait3A_44 : memref<632x128xf32, #tpu.memory_space<vmem_shared>>)
      tpu.yield
    }) : () -> ()
    "tpu.region"() ({
      %run_scoped3A = tpu.sem_alloc : memref<!tpu.dma_semaphore, #tpu.memory_space<semaphore_mem>>
      %dma_start3A_42 = arith.constant 0 : i32
      %dma_start3A_43 = arith.constant 0 : i32
      %dma_start3A_44 = tpu.memref_slice %arg3[%add3A, %dma_start3A_42, %dma_start3A_43] : memref<32x80x125xi32, #tpu.memory_space<hbm>> -> memref<1x80x125xi32, #tpu.memory_space<hbm>>
      %dma_start3A_45 = tpu.memref_squeeze %dma_start3A_44 : memref<1x80x125xi32, #tpu.memory_space<hbm>> -> memref<80x125xi32, #tpu.memory_space<hbm>>
      %dma_start3A_46 = arith.constant 0 : i32
      %dma_start3A_47 = arith.constant 0 : i32
      %dma_start3A_48 = tpu.memref_slice %arg3[%add3A, %dma_start3A_46, %dma_start3A_47] : memref<32x80x125xi32, #tpu.memory_space<hbm>> -> memref<1x80x125xi32, #tpu.memory_space<hbm>>
      %dma_start3A_49 = tpu.memref_squeeze %dma_start3A_48 : memref<1x80x125xi32, #tpu.memory_space<hbm>> -> memref<80x125xi32, #tpu.memory_space<hbm>>
      tpu.enqueue_dma source(%dma_start3A_49 : memref<80x125xi32, #tpu.memory_space<hbm>>) target(%arg7 : memref<80x125xi32, #tpu.memory_space<vmem>>) target_semaphore(%run_scoped3A : memref<!tpu.dma_semaphore, #tpu.memory_space<semaphore_mem>>)
      %dma_wait3A = arith.constant 0 : i32
      %dma_wait3A_50 = arith.constant 0 : i32
      %dma_wait3A_51 = tpu.memref_slice %arg3[%add3A, %dma_wait3A, %dma_wait3A_50] : memref<32x80x125xi32, #tpu.memory_space<hbm>> -> memref<1x80x125xi32, #tpu.memory_space<hbm>>
      %dma_wait3A_52 = tpu.memref_squeeze %dma_wait3A_51 : memref<1x80x125xi32, #tpu.memory_space<hbm>> -> memref<80x125xi32, #tpu.memory_space<hbm>>
      %dma_wait3A_53 = arith.constant 0 : i32
      %dma_wait3A_54 = arith.constant 0 : i32
      %dma_wait3A_55 = tpu.memref_slice %arg3[%add3A, %dma_wait3A_53, %dma_wait3A_54] : memref<32x80x125xi32, #tpu.memory_space<hbm>> -> memref<1x80x125xi32, #tpu.memory_space<hbm>>
      %dma_wait3A_56 = tpu.memref_squeeze %dma_wait3A_55 : memref<1x80x125xi32, #tpu.memory_space<hbm>> -> memref<80x125xi32, #tpu.memory_space<hbm>>
      tpu.wait_dma2 semaphore(%run_scoped3A : memref<!tpu.dma_semaphore, #tpu.memory_space<semaphore_mem>>) src(%dma_wait3A_56 : memref<80x125xi32, #tpu.memory_space<hbm>>) dst(%arg7 : memref<80x125xi32, #tpu.memory_space<vmem>>)
      tpu.yield
    }) : () -> ()
    %barrier3A = arith.constant 0 : index
    tpu.barrier barrier_id(%barrier3A)
    %dma_start3A = arith.constant 0 : i32
    %dma_start3A_3 = arith.constant 0 : i32
    %dma_start3A_4 = tpu.memref_slice %arg4[%add3A, %dma_start3A, %dma_start3A_3] : memref<32x80x125xi32, #tpu.memory_space<hbm>> -> memref<1x1x125xi32, #tpu.memory_space<hbm>>
    %dma_start3A_5 = tpu.memref_squeeze %dma_start3A_4 : memref<1x1x125xi32, #tpu.memory_space<hbm>> -> memref<1x125xi32, #tpu.memory_space<hbm>>
    %dma_start3A_6 = arith.constant 0 : i32
    %dma_start3A_7 = arith.constant 0 : i32
    %dma_start3A_8 = tpu.memref_slice %arg4[%add3A, %dma_start3A_6, %dma_start3A_7] : memref<32x80x125xi32, #tpu.memory_space<hbm>> -> memref<1x1x125xi32, #tpu.memory_space<hbm>>
    %dma_start3A_9 = tpu.memref_squeeze %dma_start3A_8 : memref<1x1x125xi32, #tpu.memory_space<hbm>> -> memref<1x125xi32, #tpu.memory_space<hbm>>
    tpu.enqueue_dma source(%dma_start3A_9 : memref<1x125xi32, #tpu.memory_space<hbm>>) target(%arg8 : memref<1x125xi32, #tpu.memory_space<vmem>>) target_semaphore(%arg10 : memref<!tpu.dma_semaphore, #tpu.memory_space<semaphore_mem>>)
    %dma_start3A_10 = arith.constant 0 : i32
    %dma_start3A_11 = arith.constant 0 : i32
    %dma_start3A_12 = tpu.memref_slice %arg7[%dma_start3A_10, %dma_start3A_11] : memref<80x125xi32, #tpu.memory_space<vmem>> -> memref<1x125xi32, #tpu.memory_space<vmem>>
    %dma_start3A_13 = tpu.memref_squeeze %dma_start3A_12 : memref<1x125xi32, #tpu.memory_space<vmem>> -> memref<125xi32, #tpu.memory_space<vmem>>
    %dma_start3A_14 = arith.constant 0 : i32
    %dma_start3A_15 = arith.constant 0 : i32
    %dma_start3A_16 = tpu.memref_slice %arg2[%dma_start3A_14, %dma_start3A_15] : memref<10000x128xf32, #tpu.memory_space<hbm>> -> memref<10000x128xf32, #tpu.memory_space<hbm>>
    tpu.enqueue_indirect_dma source(%dma_start3A_16 : memref<10000x128xf32, #tpu.memory_space<hbm>>) target(%arg12 : memref<125x128xf32, #tpu.memory_space<vmem>>) offsets(%dma_start3A_13 : memref<125xi32, #tpu.memory_space<vmem>>) semaphore(%arg15 : memref<!tpu.dma_semaphore, #tpu.memory_space<semaphore_mem>>)
    %dma_start3A_17 = arith.constant 1 : i32
    %dma_start3A_18 = arith.constant 0 : i32
    %dma_start3A_19 = tpu.memref_slice %arg4[%add3A, %dma_start3A_17, %dma_start3A_18] : memref<32x80x125xi32, #tpu.memory_space<hbm>> -> memref<1x1x125xi32, #tpu.memory_space<hbm>>
    %dma_start3A_20 = tpu.memref_squeeze %dma_start3A_19 : memref<1x1x125xi32, #tpu.memory_space<hbm>> -> memref<1x125xi32, #tpu.memory_space<hbm>>
    %dma_start3A_21 = arith.constant 1 : i32
    %dma_start3A_22 = arith.constant 0 : i32
    %dma_start3A_23 = tpu.memref_slice %arg4[%add3A, %dma_start3A_21, %dma_start3A_22] : memref<32x80x125xi32, #tpu.memory_space<hbm>> -> memref<1x1x125xi32, #tpu.memory_space<hbm>>
    %dma_start3A_24 = tpu.memref_squeeze %dma_start3A_23 : memref<1x1x125xi32, #tpu.memory_space<hbm>> -> memref<1x125xi32, #tpu.memory_space<hbm>>
    tpu.enqueue_dma source(%dma_start3A_24 : memref<1x125xi32, #tpu.memory_space<hbm>>) target(%arg9 : memref<1x125xi32, #tpu.memory_space<vmem>>) target_semaphore(%arg11 : memref<!tpu.dma_semaphore, #tpu.memory_space<semaphore_mem>>)
    %dma_start3A_25 = arith.constant 1 : i32
    %dma_start3A_26 = arith.constant 0 : i32
    %dma_start3A_27 = tpu.memref_slice %arg7[%dma_start3A_25, %dma_start3A_26] : memref<80x125xi32, #tpu.memory_space<vmem>> -> memref<1x125xi32, #tpu.memory_space<vmem>>
    %dma_start3A_28 = tpu.memref_squeeze %dma_start3A_27 : memref<1x125xi32, #tpu.memory_space<vmem>> -> memref<125xi32, #tpu.memory_space<vmem>>
    %dma_start3A_29 = arith.constant 0 : i32
    %dma_start3A_30 = arith.constant 0 : i32
    %dma_start3A_31 = tpu.memref_slice %arg2[%dma_start3A_29, %dma_start3A_30] : memref<10000x128xf32, #tpu.memory_space<hbm>> -> memref<10000x128xf32, #tpu.memory_space<hbm>>
    tpu.enqueue_indirect_dma source(%dma_start3A_31 : memref<10000x128xf32, #tpu.memory_space<hbm>>) target(%arg13 : memref<125x128xf32, #tpu.memory_space<vmem>>) offsets(%dma_start3A_28 : memref<125xi32, #tpu.memory_space<vmem>>) semaphore(%arg16 : memref<!tpu.dma_semaphore, #tpu.memory_space<semaphore_mem>>)
    %scan3A = arith.constant 0 : i32
    %scan3A_32 = arith.constant 0 : i32
    %scan3A_33 = arith.constant 40 : i32
    %scan3A_34 = arith.addi %scan3A_32, %scan3A_33 : i32
    %scan3A_35 = arith.constant 1 : i32
    scf.for %scan3A_42 = %scan3A_32 to %scan3A_34 step %scan3A_35  : i32 {
      %mul3A_43 = arith.constant 2 : i32
      %mul3A_44 = arith.muli %mul3A_43, %scan3A_42 : i32
      %mul3A_45 = arith.constant 2 : i32
      %mul3A_46 = arith.muli %mul3A_45, %scan3A_42 : i32
      %add3A_47 = arith.constant 1 : i32
      %add3A_48 = arith.addi %mul3A_46, %add3A_47 : i32
      %dma_wait3A = arith.constant 0 : i32
      %dma_wait3A_49 = arith.constant 0 : i32
      %dma_wait3A_50 = tpu.memref_slice %arg4[%add3A, %dma_wait3A, %dma_wait3A_49] : memref<32x80x125xi32, #tpu.memory_space<hbm>> -> memref<1x1x125xi32, #tpu.memory_space<hbm>>
      %dma_wait3A_51 = tpu.memref_squeeze %dma_wait3A_50 : memref<1x1x125xi32, #tpu.memory_space<hbm>> -> memref<1x125xi32, #tpu.memory_space<hbm>>
      %dma_wait3A_52 = arith.constant 0 : i32
      %dma_wait3A_53 = arith.constant 0 : i32
      %dma_wait3A_54 = tpu.memref_slice %arg4[%add3A, %dma_wait3A_52, %dma_wait3A_53] : memref<32x80x125xi32, #tpu.memory_space<hbm>> -> memref<1x1x125xi32, #tpu.memory_space<hbm>>
      %dma_wait3A_55 = tpu.memref_squeeze %dma_wait3A_54 : memref<1x1x125xi32, #tpu.memory_space<hbm>> -> memref<1x125xi32, #tpu.memory_space<hbm>>
      tpu.wait_dma2 semaphore(%arg10 : memref<!tpu.dma_semaphore, #tpu.memory_space<semaphore_mem>>) src(%dma_wait3A_55 : memref<1x125xi32, #tpu.memory_space<hbm>>) dst(%arg8 : memref<1x125xi32, #tpu.memory_space<vmem>>)
      %dma_wait3A_56 = arith.constant 0 : i32
      %dma_wait3A_57 = arith.constant 0 : i32
      %dma_wait3A_58 = tpu.memref_slice %arg7[%dma_wait3A_56, %dma_wait3A_57] : memref<80x125xi32, #tpu.memory_space<vmem>> -> memref<1x125xi32, #tpu.memory_space<vmem>>
      %dma_wait3A_59 = tpu.memref_squeeze %dma_wait3A_58 : memref<1x125xi32, #tpu.memory_space<vmem>> -> memref<125xi32, #tpu.memory_space<vmem>>
      %dma_wait3A_60 = arith.constant 0 : i32
      %dma_wait3A_61 = arith.constant 0 : i32
      %dma_wait3A_62 = tpu.memref_slice %arg2[%dma_wait3A_60, %dma_wait3A_61] : memref<10000x128xf32, #tpu.memory_space<hbm>> -> memref<10000x128xf32, #tpu.memory_space<hbm>>
      tpu.wait_indirect_dma semaphore(%arg15 : memref<!tpu.dma_semaphore, #tpu.memory_space<semaphore_mem>>) src(%dma_wait3A_62 : memref<10000x128xf32, #tpu.memory_space<hbm>>) dst(%arg12 : memref<125x128xf32, #tpu.memory_space<vmem>>)
      %run_scoped3A = arith.constant 0 : i32
      "tpu.region"() ({
        %run_scoped3A_90 = tpu.sem_alloc : memref<!tpu.dma_semaphore, #tpu.memory_space<semaphore_mem>>
        %dma_start3A_91 = arith.constant 0 : i32
        %dma_start3A_92 = tpu.memref_slice %arg8[%run_scoped3A, %dma_start3A_91] : memref<1x125xi32, #tpu.memory_space<vmem>> -> memref<1x125xi32, #tpu.memory_space<vmem>>
        %dma_start3A_93 = tpu.memref_squeeze %dma_start3A_92 : memref<1x125xi32, #tpu.memory_space<vmem>> -> memref<125xi32, #tpu.memory_space<vmem>>
        %dma_start3A_94 = arith.constant 0 : i32
        %dma_start3A_95 = arith.constant 0 : i32
        %dma_start3A_96 = tpu.memref_slice %arg14[%dma_start3A_94, %dma_start3A_95] : memref<10112x128xf32, #tpu.memory_space<vmem_shared>> -> memref<10112x128xf32, #tpu.memory_space<vmem_shared>>
        tpu.enqueue_indirect_dma source(%arg12 : memref<125x128xf32, #tpu.memory_space<vmem>>) target(%dma_start3A_96 : memref<10112x128xf32, #tpu.memory_space<vmem_shared>>) offsets(%dma_start3A_93 : memref<125xi32, #tpu.memory_space<vmem>>) semaphore(%run_scoped3A_90 : memref<!tpu.dma_semaphore, #tpu.memory_space<semaphore_mem>>) {add = true}
        %dma_wait3A_97 = arith.constant 0 : i32
        %dma_wait3A_98 = tpu.memref_slice %arg8[%run_scoped3A, %dma_wait3A_97] : memref<1x125xi32, #tpu.memory_space<vmem>> -> memref<1x125xi32, #tpu.memory_space<vmem>>
        %dma_wait3A_99 = tpu.memref_squeeze %dma_wait3A_98 : memref<1x125xi32, #tpu.memory_space<vmem>> -> memref<125xi32, #tpu.memory_space<vmem>>
        %dma_wait3A_100 = arith.constant 0 : i32
        %dma_wait3A_101 = arith.constant 0 : i32
        %dma_wait3A_102 = tpu.memref_slice %arg14[%dma_wait3A_100, %dma_wait3A_101] : memref<10112x128xf32, #tpu.memory_space<vmem_shared>> -> memref<10112x128xf32, #tpu.memory_space<vmem_shared>>
        tpu.wait_indirect_dma semaphore(%run_scoped3A_90 : memref<!tpu.dma_semaphore, #tpu.memory_space<semaphore_mem>>) src(%arg12 : memref<125x128xf32, #tpu.memory_space<vmem>>) dst(%dma_wait3A_102 : memref<10112x128xf32, #tpu.memory_space<vmem_shared>>)
        tpu.yield
      }) : () -> ()
      %add3A_63 = arith.constant 2 : i32
      %add3A_64 = arith.addi %mul3A_44, %add3A_63 : i32
      %lt3A = arith.constant 80 : i32
      %lt3A_65 = arith.cmpi slt, %add3A_64, %lt3A : i32
      %convert_element_type3A = arith.extui %lt3A_65 : i1 to i32
      %cond3A = arith.constant 0 : i32
      %cond3A_66 = arith.cmpi ne, %convert_element_type3A, %cond3A : i32
      scf.if %cond3A_66 {
        %add3A_90 = arith.constant 2 : i32
        %add3A_91 = arith.addi %mul3A_44, %add3A_90 : i32
        %dma_start3A_92 = arith.constant 0 : i32
        %dma_start3A_93 = tpu.memref_slice %arg4[%add3A, %add3A_91, %dma_start3A_92] : memref<32x80x125xi32, #tpu.memory_space<hbm>> -> memref<1x1x125xi32, #tpu.memory_space<hbm>>
        %dma_start3A_94 = tpu.memref_squeeze %dma_start3A_93 : memref<1x1x125xi32, #tpu.memory_space<hbm>> -> memref<1x125xi32, #tpu.memory_space<hbm>>
        %dma_start3A_95 = arith.constant 0 : i32
        %dma_start3A_96 = tpu.memref_slice %arg4[%add3A, %add3A_91, %dma_start3A_95] : memref<32x80x125xi32, #tpu.memory_space<hbm>> -> memref<1x1x125xi32, #tpu.memory_space<hbm>>
        %dma_start3A_97 = tpu.memref_squeeze %dma_start3A_96 : memref<1x1x125xi32, #tpu.memory_space<hbm>> -> memref<1x125xi32, #tpu.memory_space<hbm>>
        tpu.enqueue_dma source(%dma_start3A_97 : memref<1x125xi32, #tpu.memory_space<hbm>>) target(%arg8 : memref<1x125xi32, #tpu.memory_space<vmem>>) target_semaphore(%arg10 : memref<!tpu.dma_semaphore, #tpu.memory_space<semaphore_mem>>)
        %add3A_98 = arith.constant 2 : i32
        %add3A_99 = arith.addi %mul3A_44, %add3A_98 : i32
        %dma_start3A_100 = arith.constant 0 : i32
        %dma_start3A_101 = tpu.memref_slice %arg7[%add3A_99, %dma_start3A_100] : memref<80x125xi32, #tpu.memory_space<vmem>> -> memref<1x125xi32, #tpu.memory_space<vmem>>
        %dma_start3A_102 = tpu.memref_squeeze %dma_start3A_101 : memref<1x125xi32, #tpu.memory_space<vmem>> -> memref<125xi32, #tpu.memory_space<vmem>>
        %dma_start3A_103 = arith.constant 0 : i32
        %dma_start3A_104 = arith.constant 0 : i32
        %dma_start3A_105 = tpu.memref_slice %arg2[%dma_start3A_103, %dma_start3A_104] : memref<10000x128xf32, #tpu.memory_space<hbm>> -> memref<10000x128xf32, #tpu.memory_space<hbm>>
        tpu.enqueue_indirect_dma source(%dma_start3A_105 : memref<10000x128xf32, #tpu.memory_space<hbm>>) target(%arg12 : memref<125x128xf32, #tpu.memory_space<vmem>>) offsets(%dma_start3A_102 : memref<125xi32, #tpu.memory_space<vmem>>) semaphore(%arg15 : memref<!tpu.dma_semaphore, #tpu.memory_space<semaphore_mem>>)
      } else {
      }
      %dma_wait3A_67 = arith.constant 1 : i32
      %dma_wait3A_68 = arith.constant 0 : i32
      %dma_wait3A_69 = tpu.memref_slice %arg4[%add3A, %dma_wait3A_67, %dma_wait3A_68] : memref<32x80x125xi32, #tpu.memory_space<hbm>> -> memref<1x1x125xi32, #tpu.memory_space<hbm>>
      %dma_wait3A_70 = tpu.memref_squeeze %dma_wait3A_69 : memref<1x1x125xi32, #tpu.memory_space<hbm>> -> memref<1x125xi32, #tpu.memory_space<hbm>>
      %dma_wait3A_71 = arith.constant 1 : i32
      %dma_wait3A_72 = arith.constant 0 : i32
      %dma_wait3A_73 = tpu.memref_slice %arg4[%add3A, %dma_wait3A_71, %dma_wait3A_72] : memref<32x80x125xi32, #tpu.memory_space<hbm>> -> memref<1x1x125xi32, #tpu.memory_space<hbm>>
      %dma_wait3A_74 = tpu.memref_squeeze %dma_wait3A_73 : memref<1x1x125xi32, #tpu.memory_space<hbm>> -> memref<1x125xi32, #tpu.memory_space<hbm>>
      tpu.wait_dma2 semaphore(%arg11 : memref<!tpu.dma_semaphore, #tpu.memory_space<semaphore_mem>>) src(%dma_wait3A_74 : memref<1x125xi32, #tpu.memory_space<hbm>>) dst(%arg9 : memref<1x125xi32, #tpu.memory_space<vmem>>)
      %dma_wait3A_75 = arith.constant 0 : i32
      %dma_wait3A_76 = arith.constant 0 : i32
      %dma_wait3A_77 = tpu.memref_slice %arg7[%dma_wait3A_75, %dma_wait3A_76] : memref<80x125xi32, #tpu.memory_space<vmem>> -> memref<1x125xi32, #tpu.memory_space<vmem>>
      %dma_wait3A_78 = tpu.memref_squeeze %dma_wait3A_77 : memref<1x125xi32, #tpu.memory_space<vmem>> -> memref<125xi32, #tpu.memory_space<vmem>>
      %dma_wait3A_79 = arith.constant 0 : i32
      %dma_wait3A_80 = arith.constant 0 : i32
      %dma_wait3A_81 = tpu.memref_slice %arg2[%dma_wait3A_79, %dma_wait3A_80] : memref<10000x128xf32, #tpu.memory_space<hbm>> -> memref<10000x128xf32, #tpu.memory_space<hbm>>
      tpu.wait_indirect_dma semaphore(%arg16 : memref<!tpu.dma_semaphore, #tpu.memory_space<semaphore_mem>>) src(%dma_wait3A_81 : memref<10000x128xf32, #tpu.memory_space<hbm>>) dst(%arg13 : memref<125x128xf32, #tpu.memory_space<vmem>>)
      %run_scoped3A_82 = arith.constant 0 : i32
      "tpu.region"() ({
        %run_scoped3A_90 = tpu.sem_alloc : memref<!tpu.dma_semaphore, #tpu.memory_space<semaphore_mem>>
        %dma_start3A_91 = arith.constant 0 : i32
        %dma_start3A_92 = tpu.memref_slice %arg9[%run_scoped3A_82, %dma_start3A_91] : memref<1x125xi32, #tpu.memory_space<vmem>> -> memref<1x125xi32, #tpu.memory_space<vmem>>
        %dma_start3A_93 = tpu.memref_squeeze %dma_start3A_92 : memref<1x125xi32, #tpu.memory_space<vmem>> -> memref<125xi32, #tpu.memory_space<vmem>>
        %dma_start3A_94 = arith.constant 0 : i32
        %dma_start3A_95 = arith.constant 0 : i32
        %dma_start3A_96 = tpu.memref_slice %arg14[%dma_start3A_94, %dma_start3A_95] : memref<10112x128xf32, #tpu.memory_space<vmem_shared>> -> memref<10112x128xf32, #tpu.memory_space<vmem_shared>>
        tpu.enqueue_indirect_dma source(%arg13 : memref<125x128xf32, #tpu.memory_space<vmem>>) target(%dma_start3A_96 : memref<10112x128xf32, #tpu.memory_space<vmem_shared>>) offsets(%dma_start3A_93 : memref<125xi32, #tpu.memory_space<vmem>>) semaphore(%run_scoped3A_90 : memref<!tpu.dma_semaphore, #tpu.memory_space<semaphore_mem>>) {add = true}
        %dma_wait3A_97 = arith.constant 0 : i32
        %dma_wait3A_98 = tpu.memref_slice %arg9[%run_scoped3A_82, %dma_wait3A_97] : memref<1x125xi32, #tpu.memory_space<vmem>> -> memref<1x125xi32, #tpu.memory_space<vmem>>
        %dma_wait3A_99 = tpu.memref_squeeze %dma_wait3A_98 : memref<1x125xi32, #tpu.memory_space<vmem>> -> memref<125xi32, #tpu.memory_space<vmem>>
        %dma_wait3A_100 = arith.constant 0 : i32
        %dma_wait3A_101 = arith.constant 0 : i32
        %dma_wait3A_102 = tpu.memref_slice %arg14[%dma_wait3A_100, %dma_wait3A_101] : memref<10112x128xf32, #tpu.memory_space<vmem_shared>> -> memref<10112x128xf32, #tpu.memory_space<vmem_shared>>
        tpu.wait_indirect_dma semaphore(%run_scoped3A_90 : memref<!tpu.dma_semaphore, #tpu.memory_space<semaphore_mem>>) src(%arg13 : memref<125x128xf32, #tpu.memory_space<vmem>>) dst(%dma_wait3A_102 : memref<10112x128xf32, #tpu.memory_space<vmem_shared>>)
        tpu.yield
      }) : () -> ()
      %add3A_83 = arith.constant 2 : i32
      %add3A_84 = arith.addi %add3A_48, %add3A_83 : i32
      %lt3A_85 = arith.constant 80 : i32
      %lt3A_86 = arith.cmpi slt, %add3A_84, %lt3A_85 : i32
      %convert_element_type3A_87 = arith.extui %lt3A_86 : i1 to i32
      %cond3A_88 = arith.constant 0 : i32
      %cond3A_89 = arith.cmpi ne, %convert_element_type3A_87, %cond3A_88 : i32
      scf.if %cond3A_89 {
        %add3A_90 = arith.constant 2 : i32
        %add3A_91 = arith.addi %add3A_48, %add3A_90 : i32
        %dma_start3A_92 = arith.constant 0 : i32
        %dma_start3A_93 = tpu.memref_slice %arg4[%add3A, %add3A_91, %dma_start3A_92] : memref<32x80x125xi32, #tpu.memory_space<hbm>> -> memref<1x1x125xi32, #tpu.memory_space<hbm>>
        %dma_start3A_94 = tpu.memref_squeeze %dma_start3A_93 : memref<1x1x125xi32, #tpu.memory_space<hbm>> -> memref<1x125xi32, #tpu.memory_space<hbm>>
        %dma_start3A_95 = arith.constant 0 : i32
        %dma_start3A_96 = tpu.memref_slice %arg4[%add3A, %add3A_91, %dma_start3A_95] : memref<32x80x125xi32, #tpu.memory_space<hbm>> -> memref<1x1x125xi32, #tpu.memory_space<hbm>>
        %dma_start3A_97 = tpu.memref_squeeze %dma_start3A_96 : memref<1x1x125xi32, #tpu.memory_space<hbm>> -> memref<1x125xi32, #tpu.memory_space<hbm>>
        tpu.enqueue_dma source(%dma_start3A_97 : memref<1x125xi32, #tpu.memory_space<hbm>>) target(%arg9 : memref<1x125xi32, #tpu.memory_space<vmem>>) target_semaphore(%arg11 : memref<!tpu.dma_semaphore, #tpu.memory_space<semaphore_mem>>)
        %add3A_98 = arith.constant 2 : i32
        %add3A_99 = arith.addi %add3A_48, %add3A_98 : i32
        %dma_start3A_100 = arith.constant 0 : i32
        %dma_start3A_101 = tpu.memref_slice %arg7[%add3A_99, %dma_start3A_100] : memref<80x125xi32, #tpu.memory_space<vmem>> -> memref<1x125xi32, #tpu.memory_space<vmem>>
        %dma_start3A_102 = tpu.memref_squeeze %dma_start3A_101 : memref<1x125xi32, #tpu.memory_space<vmem>> -> memref<125xi32, #tpu.memory_space<vmem>>
        %dma_start3A_103 = arith.constant 0 : i32
        %dma_start3A_104 = arith.constant 0 : i32
        %dma_start3A_105 = tpu.memref_slice %arg2[%dma_start3A_103, %dma_start3A_104] : memref<10000x128xf32, #tpu.memory_space<hbm>> -> memref<10000x128xf32, #tpu.memory_space<hbm>>
        tpu.enqueue_indirect_dma source(%dma_start3A_105 : memref<10000x128xf32, #tpu.memory_space<hbm>>) target(%arg13 : memref<125x128xf32, #tpu.memory_space<vmem>>) offsets(%dma_start3A_102 : memref<125xi32, #tpu.memory_space<vmem>>) semaphore(%arg16 : memref<!tpu.dma_semaphore, #tpu.memory_space<semaphore_mem>>)
      } else {
      }
    }
    %scan3A_36 = arith.constant 40 : i32
    %barrier3A_37 = arith.constant 0 : index
    tpu.barrier barrier_id(%barrier3A_37)
    %mul3A_38 = arith.constant 632 : i32
    %mul3A_39 = arith.muli %arg1, %mul3A_38 : i32
    %mul3A_40 = arith.constant 632 : i32
    %mul3A_41 = arith.muli %arg1, %mul3A_40 : i32
    "tpu.region"() ({
      %run_scoped3A = tpu.sem_alloc : memref<!tpu.dma_semaphore, #tpu.memory_space<semaphore_mem>>
      %dma_start3A_42 = arith.constant 0 : i32
      %dma_start3A_43 = tpu.memref_slice %arg6[%arg0, %mul3A_41, %dma_start3A_42] : memref<2x10112x128xf32, #tpu.memory_space<hbm>> -> memref<1x632x128xf32, #tpu.memory_space<hbm>>
      %dma_start3A_44 = tpu.memref_squeeze %dma_start3A_43 : memref<1x632x128xf32, #tpu.memory_space<hbm>> -> memref<632x128xf32, #tpu.memory_space<hbm>>
      %dma_start3A_45 = arith.constant 0 : i32
      %dma_start3A_46 = tpu.memref_slice %arg14[%mul3A_39, %dma_start3A_45] : memref<10112x128xf32, #tpu.memory_space<vmem_shared>> -> memref<632x128xf32, #tpu.memory_space<vmem_shared>>
      tpu.enqueue_dma source(%dma_start3A_46 : memref<632x128xf32, #tpu.memory_space<vmem_shared>>) target(%dma_start3A_44 : memref<632x128xf32, #tpu.memory_space<hbm>>) target_semaphore(%run_scoped3A : memref<!tpu.dma_semaphore, #tpu.memory_space<semaphore_mem>>)
      %dma_wait3A = arith.constant 0 : i32
      %dma_wait3A_47 = tpu.memref_slice %arg6[%arg0, %mul3A_41, %dma_wait3A] : memref<2x10112x128xf32, #tpu.memory_space<hbm>> -> memref<1x632x128xf32, #tpu.memory_space<hbm>>
      %dma_wait3A_48 = tpu.memref_squeeze %dma_wait3A_47 : memref<1x632x128xf32, #tpu.memory_space<hbm>> -> memref<632x128xf32, #tpu.memory_space<hbm>>
      %dma_wait3A_49 = arith.constant 0 : i32
      %dma_wait3A_50 = tpu.memref_slice %arg14[%mul3A_39, %dma_wait3A_49] : memref<10112x128xf32, #tpu.memory_space<vmem_shared>> -> memref<632x128xf32, #tpu.memory_space<vmem_shared>>
      tpu.wait_dma2 semaphore(%run_scoped3A : memref<!tpu.dma_semaphore, #tpu.memory_space<semaphore_mem>>) src(%dma_wait3A_50 : memref<632x128xf32, #tpu.memory_space<vmem_shared>>) dst(%dma_wait3A_48 : memref<632x128xf32, #tpu.memory_space<hbm>>)
      tpu.yield
    }) : () -> ()
    return
  }
}

#map = affine_map<(d0, d1) -> (0, 0)>
#map1 = affine_map<(d0, d1) -> (0, 0, 0)>
module attributes {stable_mosaic.version = 14 : i64} {
  func.func @agg(%arg0: i32, %arg1: i32, %arg2: memref<10000x128xf32, #tpu.memory_space<hbm>>, %arg3: memref<32x80x125xi32, #tpu.memory_space<hbm>>, %arg4: memref<32x80x125xi32, #tpu.memory_space<hbm>>, %arg5: memref<632x128xf32, #tpu.memory_space<hbm>>, %arg6: memref<2x10112x128xf32, #tpu.memory_space<hbm>>, %arg7: memref<80x125xi32, #tpu.memory_space<vmem>>, %arg8: memref<1x125xi32, #tpu.memory_space<vmem>>, %arg9: memref<1x125xi32, #tpu.memory_space<vmem>>, %arg10: memref<!tpu.dma_semaphore, #tpu.memory_space<semaphore_mem>>, %arg11: memref<!tpu.dma_semaphore, #tpu.memory_space<semaphore_mem>>, %arg12: memref<125x128xf32, #tpu.memory_space<vmem>>, %arg13: memref<125x128xf32, #tpu.memory_space<vmem>>, %arg14: memref<10112x128xf32, #tpu.memory_space<vmem_shared>>, %arg15: memref<!tpu.dma_semaphore, #tpu.memory_space<semaphore_mem>>, %arg16: memref<!tpu.dma_semaphore, #tpu.memory_space<semaphore_mem>>) attributes {dimension_semantics = [#tpu.dimension_semantics<core_parallel>, #tpu.dimension_semantics<subcore_parallel>], iteration_bounds = array<i64: 2, 16>, scalar_prefetch = 0 : i64, scratch_operands = 10 : i64, tpu.core_type = #tpu.core_type<sc_vector_subcore>, window_params = [{transform_indices = #map}, {transform_indices = #map1}, {transform_indices = #map1}, {transform_indices = #map}, {transform_indices = #map1}]} {
    %mul3A = arith.constant 2 : i32
    %mul3A_0 = arith.muli %arg1, %mul3A : i32
    %add3A = arith.addi %mul3A_0, %arg0 : i32
    %mul3A_1 = arith.constant 632 : i32
    %mul3A_2 = arith.muli %arg1, %mul3A_1 : i32
    "tpu.region"() ({
      %run_scoped3A = tpu.sem_alloc : memref<!tpu.dma_semaphore, #tpu.memory_space<semaphore_mem>>
      %dma_start3A_42 = arith.constant 0 : i32
      %dma_start3A_43 = tpu.memref_slice %arg14[%mul3A_2, %dma_start3A_42] : memref<10112x128xf32, #tpu.memory_space<vmem_shared>> -> memref<632x128xf32, #tpu.memory_space<vmem_shared>>
      tpu.enqueue_dma source(%arg5 : memref<632x128xf32, #tpu.memory_space<hbm>>) target(%dma_start3A_43 : memref<632x128xf32, #tpu.memory_space<vmem_shared>>) target_semaphore(%run_scoped3A : memref<!tpu.dma_semaphore, #tpu.memory_space<semaphore_mem>>)
      %dma_wait3A = arith.constant 0 : i32
      %dma_wait3A_44 = tpu.memref_slice %arg14[%mul3A_2, %dma_wait3A] : memref<10112x128xf32, #tpu.memory_space<vmem_shared>> -> memref<632x128xf32, #tpu.memory_space<vmem_shared>>
      tpu.wait_dma2 semaphore(%run_scoped3A : memref<!tpu.dma_semaphore, #tpu.memory_space<semaphore_mem>>) src(%arg5 : memref<632x128xf32, #tpu.memory_space<hbm>>) dst(%dma_wait3A_44 : memref<632x128xf32, #tpu.memory_space<vmem_shared>>)
      tpu.yield
    }) : () -> ()
    "tpu.region"() ({
      %run_scoped3A = tpu.sem_alloc : memref<!tpu.dma_semaphore, #tpu.memory_space<semaphore_mem>>
      %dma_start3A_42 = arith.constant 0 : i32
      %dma_start3A_43 = arith.constant 0 : i32
      %dma_start3A_44 = tpu.memref_slice %arg3[%add3A, %dma_start3A_42, %dma_start3A_43] : memref<32x80x125xi32, #tpu.memory_space<hbm>> -> memref<1x80x125xi32, #tpu.memory_space<hbm>>
      %dma_start3A_45 = tpu.memref_squeeze %dma_start3A_44 : memref<1x80x125xi32, #tpu.memory_space<hbm>> -> memref<80x125xi32, #tpu.memory_space<hbm>>
      %dma_start3A_46 = arith.constant 0 : i32
      %dma_start3A_47 = arith.constant 0 : i32
      %dma_start3A_48 = tpu.memref_slice %arg3[%add3A, %dma_start3A_46, %dma_start3A_47] : memref<32x80x125xi32, #tpu.memory_space<hbm>> -> memref<1x80x125xi32, #tpu.memory_space<hbm>>
      %dma_start3A_49 = tpu.memref_squeeze %dma_start3A_48 : memref<1x80x125xi32, #tpu.memory_space<hbm>> -> memref<80x125xi32, #tpu.memory_space<hbm>>
      tpu.enqueue_dma source(%dma_start3A_49 : memref<80x125xi32, #tpu.memory_space<hbm>>) target(%arg7 : memref<80x125xi32, #tpu.memory_space<vmem>>) target_semaphore(%run_scoped3A : memref<!tpu.dma_semaphore, #tpu.memory_space<semaphore_mem>>)
      %dma_wait3A = arith.constant 0 : i32
      %dma_wait3A_50 = arith.constant 0 : i32
      %dma_wait3A_51 = tpu.memref_slice %arg3[%add3A, %dma_wait3A, %dma_wait3A_50] : memref<32x80x125xi32, #tpu.memory_space<hbm>> -> memref<1x80x125xi32, #tpu.memory_space<hbm>>
      %dma_wait3A_52 = tpu.memref_squeeze %dma_wait3A_51 : memref<1x80x125xi32, #tpu.memory_space<hbm>> -> memref<80x125xi32, #tpu.memory_space<hbm>>
      %dma_wait3A_53 = arith.constant 0 : i32
      %dma_wait3A_54 = arith.constant 0 : i32
      %dma_wait3A_55 = tpu.memref_slice %arg3[%add3A, %dma_wait3A_53, %dma_wait3A_54] : memref<32x80x125xi32, #tpu.memory_space<hbm>> -> memref<1x80x125xi32, #tpu.memory_space<hbm>>
      %dma_wait3A_56 = tpu.memref_squeeze %dma_wait3A_55 : memref<1x80x125xi32, #tpu.memory_space<hbm>> -> memref<80x125xi32, #tpu.memory_space<hbm>>
      tpu.wait_dma2 semaphore(%run_scoped3A : memref<!tpu.dma_semaphore, #tpu.memory_space<semaphore_mem>>) src(%dma_wait3A_56 : memref<80x125xi32, #tpu.memory_space<hbm>>) dst(%arg7 : memref<80x125xi32, #tpu.memory_space<vmem>>)
      tpu.yield
    }) : () -> ()
    %barrier3A = arith.constant 0 : index
    tpu.barrier barrier_id(%barrier3A)
    %dma_start3A = arith.constant 0 : i32
    %dma_start3A_3 = arith.constant 0 : i32
    %dma_start3A_4 = tpu.memref_slice %arg4[%add3A, %dma_start3A, %dma_start3A_3] : memref<32x80x125xi32, #tpu.memory_space<hbm>> -> memref<1x1x125xi32, #tpu.memory_space<hbm>>
    %dma_start3A_5 = tpu.memref_squeeze %dma_start3A_4 : memref<1x1x125xi32, #tpu.memory_space<hbm>> -> memref<1x125xi32, #tpu.memory_space<hbm>>
    %dma_start3A_6 = arith.constant 0 : i32
    %dma_start3A_7 = arith.constant 0 : i32
    %dma_start3A_8 = tpu.memref_slice %arg4[%add3A, %dma_start3A_6, %dma_start3A_7] : memref<32x80x125xi32, #tpu.memory_space<hbm>> -> memref<1x1x125xi32, #tpu.memory_space<hbm>>
    %dma_start3A_9 = tpu.memref_squeeze %dma_start3A_8 : memref<1x1x125xi32, #tpu.memory_space<hbm>> -> memref<1x125xi32, #tpu.memory_space<hbm>>
    tpu.enqueue_dma source(%dma_start3A_9 : memref<1x125xi32, #tpu.memory_space<hbm>>) target(%arg8 : memref<1x125xi32, #tpu.memory_space<vmem>>) target_semaphore(%arg10 : memref<!tpu.dma_semaphore, #tpu.memory_space<semaphore_mem>>)
    %dma_start3A_10 = arith.constant 0 : i32
    %dma_start3A_11 = arith.constant 0 : i32
    %dma_start3A_12 = tpu.memref_slice %arg7[%dma_start3A_10, %dma_start3A_11] : memref<80x125xi32, #tpu.memory_space<vmem>> -> memref<1x125xi32, #tpu.memory_space<vmem>>
    %dma_start3A_13 = tpu.memref_squeeze %dma_start3A_12 : memref<1x125xi32, #tpu.memory_space<vmem>> -> memref<125xi32, #tpu.memory_space<vmem>>
    %dma_start3A_14 = arith.constant 0 : i32
    %dma_start3A_15 = arith.constant 0 : i32
    %dma_start3A_16 = tpu.memref_slice %arg2[%dma_start3A_14, %dma_start3A_15] : memref<10000x128xf32, #tpu.memory_space<hbm>> -> memref<10000x128xf32, #tpu.memory_space<hbm>>
    tpu.enqueue_indirect_dma source(%dma_start3A_16 : memref<10000x128xf32, #tpu.memory_space<hbm>>) target(%arg12 : memref<125x128xf32, #tpu.memory_space<vmem>>) offsets(%dma_start3A_13 : memref<125xi32, #tpu.memory_space<vmem>>) semaphore(%arg15 : memref<!tpu.dma_semaphore, #tpu.memory_space<semaphore_mem>>)
    %dma_start3A_17 = arith.constant 1 : i32
    %dma_start3A_18 = arith.constant 0 : i32
    %dma_start3A_19 = tpu.memref_slice %arg4[%add3A, %dma_start3A_17, %dma_start3A_18] : memref<32x80x125xi32, #tpu.memory_space<hbm>> -> memref<1x1x125xi32, #tpu.memory_space<hbm>>
    %dma_start3A_20 = tpu.memref_squeeze %dma_start3A_19 : memref<1x1x125xi32, #tpu.memory_space<hbm>> -> memref<1x125xi32, #tpu.memory_space<hbm>>
    %dma_start3A_21 = arith.constant 1 : i32
    %dma_start3A_22 = arith.constant 0 : i32
    %dma_start3A_23 = tpu.memref_slice %arg4[%add3A, %dma_start3A_21, %dma_start3A_22] : memref<32x80x125xi32, #tpu.memory_space<hbm>> -> memref<1x1x125xi32, #tpu.memory_space<hbm>>
    %dma_start3A_24 = tpu.memref_squeeze %dma_start3A_23 : memref<1x1x125xi32, #tpu.memory_space<hbm>> -> memref<1x125xi32, #tpu.memory_space<hbm>>
    tpu.enqueue_dma source(%dma_start3A_24 : memref<1x125xi32, #tpu.memory_space<hbm>>) target(%arg9 : memref<1x125xi32, #tpu.memory_space<vmem>>) target_semaphore(%arg11 : memref<!tpu.dma_semaphore, #tpu.memory_space<semaphore_mem>>)
    %dma_start3A_25 = arith.constant 1 : i32
    %dma_start3A_26 = arith.constant 0 : i32
    %dma_start3A_27 = tpu.memref_slice %arg7[%dma_start3A_25, %dma_start3A_26] : memref<80x125xi32, #tpu.memory_space<vmem>> -> memref<1x125xi32, #tpu.memory_space<vmem>>
    %dma_start3A_28 = tpu.memref_squeeze %dma_start3A_27 : memref<1x125xi32, #tpu.memory_space<vmem>> -> memref<125xi32, #tpu.memory_space<vmem>>
    %dma_start3A_29 = arith.constant 0 : i32
    %dma_start3A_30 = arith.constant 0 : i32
    %dma_start3A_31 = tpu.memref_slice %arg2[%dma_start3A_29, %dma_start3A_30] : memref<10000x128xf32, #tpu.memory_space<hbm>> -> memref<10000x128xf32, #tpu.memory_space<hbm>>
    tpu.enqueue_indirect_dma source(%dma_start3A_31 : memref<10000x128xf32, #tpu.memory_space<hbm>>) target(%arg13 : memref<125x128xf32, #tpu.memory_space<vmem>>) offsets(%dma_start3A_28 : memref<125xi32, #tpu.memory_space<vmem>>) semaphore(%arg16 : memref<!tpu.dma_semaphore, #tpu.memory_space<semaphore_mem>>)
    %scan3A = arith.constant 0 : i32
    %scan3A_32 = arith.constant 0 : i32
    %scan3A_33 = arith.constant 40 : i32
    %scan3A_34 = arith.addi %scan3A_32, %scan3A_33 : i32
    %scan3A_35 = arith.constant 1 : i32
    scf.for %scan3A_42 = %scan3A_32 to %scan3A_34 step %scan3A_35  : i32 {
      %mul3A_43 = arith.constant 2 : i32
      %mul3A_44 = arith.muli %mul3A_43, %scan3A_42 : i32
      %mul3A_45 = arith.constant 2 : i32
      %mul3A_46 = arith.muli %mul3A_45, %scan3A_42 : i32
      %add3A_47 = arith.constant 1 : i32
      %add3A_48 = arith.addi %mul3A_46, %add3A_47 : i32
      %dma_wait3A = arith.constant 0 : i32
      %dma_wait3A_49 = arith.constant 0 : i32
      %dma_wait3A_50 = tpu.memref_slice %arg4[%add3A, %dma_wait3A, %dma_wait3A_49] : memref<32x80x125xi32, #tpu.memory_space<hbm>> -> memref<1x1x125xi32, #tpu.memory_space<hbm>>
      %dma_wait3A_51 = tpu.memref_squeeze %dma_wait3A_50 : memref<1x1x125xi32, #tpu.memory_space<hbm>> -> memref<1x125xi32, #tpu.memory_space<hbm>>
      %dma_wait3A_52 = arith.constant 0 : i32
      %dma_wait3A_53 = arith.constant 0 : i32
      %dma_wait3A_54 = tpu.memref_slice %arg4[%add3A, %dma_wait3A_52, %dma_wait3A_53] : memref<32x80x125xi32, #tpu.memory_space<hbm>> -> memref<1x1x125xi32, #tpu.memory_space<hbm>>
      %dma_wait3A_55 = tpu.memref_squeeze %dma_wait3A_54 : memref<1x1x125xi32, #tpu.memory_space<hbm>> -> memref<1x125xi32, #tpu.memory_space<hbm>>
      tpu.wait_dma2 semaphore(%arg10 : memref<!tpu.dma_semaphore, #tpu.memory_space<semaphore_mem>>) src(%dma_wait3A_55 : memref<1x125xi32, #tpu.memory_space<hbm>>) dst(%arg8 : memref<1x125xi32, #tpu.memory_space<vmem>>)
      %dma_wait3A_56 = arith.constant 0 : i32
      %dma_wait3A_57 = arith.constant 0 : i32
      %dma_wait3A_58 = tpu.memref_slice %arg7[%dma_wait3A_56, %dma_wait3A_57] : memref<80x125xi32, #tpu.memory_space<vmem>> -> memref<1x125xi32, #tpu.memory_space<vmem>>
      %dma_wait3A_59 = tpu.memref_squeeze %dma_wait3A_58 : memref<1x125xi32, #tpu.memory_space<vmem>> -> memref<125xi32, #tpu.memory_space<vmem>>
      %dma_wait3A_60 = arith.constant 0 : i32
      %dma_wait3A_61 = arith.constant 0 : i32
      %dma_wait3A_62 = tpu.memref_slice %arg2[%dma_wait3A_60, %dma_wait3A_61] : memref<10000x128xf32, #tpu.memory_space<hbm>> -> memref<10000x128xf32, #tpu.memory_space<hbm>>
      tpu.wait_indirect_dma semaphore(%arg15 : memref<!tpu.dma_semaphore, #tpu.memory_space<semaphore_mem>>) src(%dma_wait3A_62 : memref<10000x128xf32, #tpu.memory_space<hbm>>) dst(%arg12 : memref<125x128xf32, #tpu.memory_space<vmem>>)
      %run_scoped3A = arith.constant 0 : i32
      "tpu.region"() ({
        %run_scoped3A_90 = tpu.sem_alloc : memref<!tpu.dma_semaphore, #tpu.memory_space<semaphore_mem>>
        %dma_start3A_91 = arith.constant 0 : i32
        %dma_start3A_92 = tpu.memref_slice %arg8[%run_scoped3A, %dma_start3A_91] : memref<1x125xi32, #tpu.memory_space<vmem>> -> memref<1x125xi32, #tpu.memory_space<vmem>>
        %dma_start3A_93 = tpu.memref_squeeze %dma_start3A_92 : memref<1x125xi32, #tpu.memory_space<vmem>> -> memref<125xi32, #tpu.memory_space<vmem>>
        %dma_start3A_94 = arith.constant 0 : i32
        %dma_start3A_95 = arith.constant 0 : i32
        %dma_start3A_96 = tpu.memref_slice %arg14[%dma_start3A_94, %dma_start3A_95] : memref<10112x128xf32, #tpu.memory_space<vmem_shared>> -> memref<10112x128xf32, #tpu.memory_space<vmem_shared>>
        tpu.enqueue_indirect_dma source(%arg12 : memref<125x128xf32, #tpu.memory_space<vmem>>) target(%dma_start3A_96 : memref<10112x128xf32, #tpu.memory_space<vmem_shared>>) offsets(%dma_start3A_93 : memref<125xi32, #tpu.memory_space<vmem>>) semaphore(%run_scoped3A_90 : memref<!tpu.dma_semaphore, #tpu.memory_space<semaphore_mem>>) {add = true}
        %dma_wait3A_97 = arith.constant 0 : i32
        %dma_wait3A_98 = tpu.memref_slice %arg8[%run_scoped3A, %dma_wait3A_97] : memref<1x125xi32, #tpu.memory_space<vmem>> -> memref<1x125xi32, #tpu.memory_space<vmem>>
        %dma_wait3A_99 = tpu.memref_squeeze %dma_wait3A_98 : memref<1x125xi32, #tpu.memory_space<vmem>> -> memref<125xi32, #tpu.memory_space<vmem>>
        %dma_wait3A_100 = arith.constant 0 : i32
        %dma_wait3A_101 = arith.constant 0 : i32
        %dma_wait3A_102 = tpu.memref_slice %arg14[%dma_wait3A_100, %dma_wait3A_101] : memref<10112x128xf32, #tpu.memory_space<vmem_shared>> -> memref<10112x128xf32, #tpu.memory_space<vmem_shared>>
        tpu.wait_indirect_dma semaphore(%run_scoped3A_90 : memref<!tpu.dma_semaphore, #tpu.memory_space<semaphore_mem>>) src(%arg12 : memref<125x128xf32, #tpu.memory_space<vmem>>) dst(%dma_wait3A_102 : memref<10112x128xf32, #tpu.memory_space<vmem_shared>>)
        tpu.yield
      }) : () -> ()
      %add3A_63 = arith.constant 2 : i32
      %add3A_64 = arith.addi %mul3A_44, %add3A_63 : i32
      %lt3A = arith.constant 80 : i32
      %lt3A_65 = arith.cmpi slt, %add3A_64, %lt3A : i32
      %convert_element_type3A = arith.extui %lt3A_65 : i1 to i32
      %cond3A = arith.constant 0 : i32
      %cond3A_66 = arith.cmpi ne, %convert_element_type3A, %cond3A : i32
      scf.if %cond3A_66 {
        %add3A_90 = arith.constant 2 : i32
        %add3A_91 = arith.addi %mul3A_44, %add3A_90 : i32
        %dma_start3A_92 = arith.constant 0 : i32
        %dma_start3A_93 = tpu.memref_slice %arg4[%add3A, %add3A_91, %dma_start3A_92] : memref<32x80x125xi32, #tpu.memory_space<hbm>> -> memref<1x1x125xi32, #tpu.memory_space<hbm>>
        %dma_start3A_94 = tpu.memref_squeeze %dma_start3A_93 : memref<1x1x125xi32, #tpu.memory_space<hbm>> -> memref<1x125xi32, #tpu.memory_space<hbm>>
        %dma_start3A_95 = arith.constant 0 : i32
        %dma_start3A_96 = tpu.memref_slice %arg4[%add3A, %add3A_91, %dma_start3A_95] : memref<32x80x125xi32, #tpu.memory_space<hbm>> -> memref<1x1x125xi32, #tpu.memory_space<hbm>>
        %dma_start3A_97 = tpu.memref_squeeze %dma_start3A_96 : memref<1x1x125xi32, #tpu.memory_space<hbm>> -> memref<1x125xi32, #tpu.memory_space<hbm>>
        tpu.enqueue_dma source(%dma_start3A_97 : memref<1x125xi32, #tpu.memory_space<hbm>>) target(%arg8 : memref<1x125xi32, #tpu.memory_space<vmem>>) target_semaphore(%arg10 : memref<!tpu.dma_semaphore, #tpu.memory_space<semaphore_mem>>)
        %add3A_98 = arith.constant 2 : i32
        %add3A_99 = arith.addi %mul3A_44, %add3A_98 : i32
        %dma_start3A_100 = arith.constant 0 : i32
        %dma_start3A_101 = tpu.memref_slice %arg7[%add3A_99, %dma_start3A_100] : memref<80x125xi32, #tpu.memory_space<vmem>> -> memref<1x125xi32, #tpu.memory_space<vmem>>
        %dma_start3A_102 = tpu.memref_squeeze %dma_start3A_101 : memref<1x125xi32, #tpu.memory_space<vmem>> -> memref<125xi32, #tpu.memory_space<vmem>>
        %dma_start3A_103 = arith.constant 0 : i32
        %dma_start3A_104 = arith.constant 0 : i32
        %dma_start3A_105 = tpu.memref_slice %arg2[%dma_start3A_103, %dma_start3A_104] : memref<10000x128xf32, #tpu.memory_space<hbm>> -> memref<10000x128xf32, #tpu.memory_space<hbm>>
        tpu.enqueue_indirect_dma source(%dma_start3A_105 : memref<10000x128xf32, #tpu.memory_space<hbm>>) target(%arg12 : memref<125x128xf32, #tpu.memory_space<vmem>>) offsets(%dma_start3A_102 : memref<125xi32, #tpu.memory_space<vmem>>) semaphore(%arg15 : memref<!tpu.dma_semaphore, #tpu.memory_space<semaphore_mem>>)
      } else {
      }
      %dma_wait3A_67 = arith.constant 1 : i32
      %dma_wait3A_68 = arith.constant 0 : i32
      %dma_wait3A_69 = tpu.memref_slice %arg4[%add3A, %dma_wait3A_67, %dma_wait3A_68] : memref<32x80x125xi32, #tpu.memory_space<hbm>> -> memref<1x1x125xi32, #tpu.memory_space<hbm>>
      %dma_wait3A_70 = tpu.memref_squeeze %dma_wait3A_69 : memref<1x1x125xi32, #tpu.memory_space<hbm>> -> memref<1x125xi32, #tpu.memory_space<hbm>>
      %dma_wait3A_71 = arith.constant 1 : i32
      %dma_wait3A_72 = arith.constant 0 : i32
      %dma_wait3A_73 = tpu.memref_slice %arg4[%add3A, %dma_wait3A_71, %dma_wait3A_72] : memref<32x80x125xi32, #tpu.memory_space<hbm>> -> memref<1x1x125xi32, #tpu.memory_space<hbm>>
      %dma_wait3A_74 = tpu.memref_squeeze %dma_wait3A_73 : memref<1x1x125xi32, #tpu.memory_space<hbm>> -> memref<1x125xi32, #tpu.memory_space<hbm>>
      tpu.wait_dma2 semaphore(%arg11 : memref<!tpu.dma_semaphore, #tpu.memory_space<semaphore_mem>>) src(%dma_wait3A_74 : memref<1x125xi32, #tpu.memory_space<hbm>>) dst(%arg9 : memref<1x125xi32, #tpu.memory_space<vmem>>)
      %dma_wait3A_75 = arith.constant 0 : i32
      %dma_wait3A_76 = arith.constant 0 : i32
      %dma_wait3A_77 = tpu.memref_slice %arg7[%dma_wait3A_75, %dma_wait3A_76] : memref<80x125xi32, #tpu.memory_space<vmem>> -> memref<1x125xi32, #tpu.memory_space<vmem>>
      %dma_wait3A_78 = tpu.memref_squeeze %dma_wait3A_77 : memref<1x125xi32, #tpu.memory_space<vmem>> -> memref<125xi32, #tpu.memory_space<vmem>>
      %dma_wait3A_79 = arith.constant 0 : i32
      %dma_wait3A_80 = arith.constant 0 : i32
      %dma_wait3A_81 = tpu.memref_slice %arg2[%dma_wait3A_79, %dma_wait3A_80] : memref<10000x128xf32, #tpu.memory_space<hbm>> -> memref<10000x128xf32, #tpu.memory_space<hbm>>
      tpu.wait_indirect_dma semaphore(%arg16 : memref<!tpu.dma_semaphore, #tpu.memory_space<semaphore_mem>>) src(%dma_wait3A_81 : memref<10000x128xf32, #tpu.memory_space<hbm>>) dst(%arg13 : memref<125x128xf32, #tpu.memory_space<vmem>>)
      %run_scoped3A_82 = arith.constant 0 : i32
      "tpu.region"() ({
        %run_scoped3A_90 = tpu.sem_alloc : memref<!tpu.dma_semaphore, #tpu.memory_space<semaphore_mem>>
        %dma_start3A_91 = arith.constant 0 : i32
        %dma_start3A_92 = tpu.memref_slice %arg9[%run_scoped3A_82, %dma_start3A_91] : memref<1x125xi32, #tpu.memory_space<vmem>> -> memref<1x125xi32, #tpu.memory_space<vmem>>
        %dma_start3A_93 = tpu.memref_squeeze %dma_start3A_92 : memref<1x125xi32, #tpu.memory_space<vmem>> -> memref<125xi32, #tpu.memory_space<vmem>>
        %dma_start3A_94 = arith.constant 0 : i32
        %dma_start3A_95 = arith.constant 0 : i32
        %dma_start3A_96 = tpu.memref_slice %arg14[%dma_start3A_94, %dma_start3A_95] : memref<10112x128xf32, #tpu.memory_space<vmem_shared>> -> memref<10112x128xf32, #tpu.memory_space<vmem_shared>>
        tpu.enqueue_indirect_dma source(%arg13 : memref<125x128xf32, #tpu.memory_space<vmem>>) target(%dma_start3A_96 : memref<10112x128xf32, #tpu.memory_space<vmem_shared>>) offsets(%dma_start3A_93 : memref<125xi32, #tpu.memory_space<vmem>>) semaphore(%run_scoped3A_90 : memref<!tpu.dma_semaphore, #tpu.memory_space<semaphore_mem>>) {add = true}
        %dma_wait3A_97 = arith.constant 0 : i32
        %dma_wait3A_98 = tpu.memref_slice %arg9[%run_scoped3A_82, %dma_wait3A_97] : memref<1x125xi32, #tpu.memory_space<vmem>> -> memref<1x125xi32, #tpu.memory_space<vmem>>
        %dma_wait3A_99 = tpu.memref_squeeze %dma_wait3A_98 : memref<1x125xi32, #tpu.memory_space<vmem>> -> memref<125xi32, #tpu.memory_space<vmem>>
        %dma_wait3A_100 = arith.constant 0 : i32
        %dma_wait3A_101 = arith.constant 0 : i32
        %dma_wait3A_102 = tpu.memref_slice %arg14[%dma_wait3A_100, %dma_wait3A_101] : memref<10112x128xf32, #tpu.memory_space<vmem_shared>> -> memref<10112x128xf32, #tpu.memory_space<vmem_shared>>
        tpu.wait_indirect_dma semaphore(%run_scoped3A_90 : memref<!tpu.dma_semaphore, #tpu.memory_space<semaphore_mem>>) src(%arg13 : memref<125x128xf32, #tpu.memory_space<vmem>>) dst(%dma_wait3A_102 : memref<10112x128xf32, #tpu.memory_space<vmem_shared>>)
        tpu.yield
      }) : () -> ()
      %add3A_83 = arith.constant 2 : i32
      %add3A_84 = arith.addi %add3A_48, %add3A_83 : i32
      %lt3A_85 = arith.constant 80 : i32
      %lt3A_86 = arith.cmpi slt, %add3A_84, %lt3A_85 : i32
      %convert_element_type3A_87 = arith.extui %lt3A_86 : i1 to i32
      %cond3A_88 = arith.constant 0 : i32
      %cond3A_89 = arith.cmpi ne, %convert_element_type3A_87, %cond3A_88 : i32
      scf.if %cond3A_89 {
        %add3A_90 = arith.constant 2 : i32
        %add3A_91 = arith.addi %add3A_48, %add3A_90 : i32
        %dma_start3A_92 = arith.constant 0 : i32
        %dma_start3A_93 = tpu.memref_slice %arg4[%add3A, %add3A_91, %dma_start3A_92] : memref<32x80x125xi32, #tpu.memory_space<hbm>> -> memref<1x1x125xi32, #tpu.memory_space<hbm>>
        %dma_start3A_94 = tpu.memref_squeeze %dma_start3A_93 : memref<1x1x125xi32, #tpu.memory_space<hbm>> -> memref<1x125xi32, #tpu.memory_space<hbm>>
        %dma_start3A_95 = arith.constant 0 : i32
        %dma_start3A_96 = tpu.memref_slice %arg4[%add3A, %add3A_91, %dma_start3A_95] : memref<32x80x125xi32, #tpu.memory_space<hbm>> -> memref<1x1x125xi32, #tpu.memory_space<hbm>>
        %dma_start3A_97 = tpu.memref_squeeze %dma_start3A_96 : memref<1x1x125xi32, #tpu.memory_space<hbm>> -> memref<1x125xi32, #tpu.memory_space<hbm>>
        tpu.enqueue_dma source(%dma_start3A_97 : memref<1x125xi32, #tpu.memory_space<hbm>>) target(%arg9 : memref<1x125xi32, #tpu.memory_space<vmem>>) target_semaphore(%arg11 : memref<!tpu.dma_semaphore, #tpu.memory_space<semaphore_mem>>)
        %add3A_98 = arith.constant 2 : i32
        %add3A_99 = arith.addi %add3A_48, %add3A_98 : i32
        %dma_start3A_100 = arith.constant 0 : i32
        %dma_start3A_101 = tpu.memref_slice %arg7[%add3A_99, %dma_start3A_100] : memref<80x125xi32, #tpu.memory_space<vmem>> -> memref<1x125xi32, #tpu.memory_space<vmem>>
        %dma_start3A_102 = tpu.memref_squeeze %dma_start3A_101 : memref<1x125xi32, #tpu.memory_space<vmem>> -> memref<125xi32, #tpu.memory_space<vmem>>
        %dma_start3A_103 = arith.constant 0 : i32
        %dma_start3A_104 = arith.constant 0 : i32
        %dma_start3A_105 = tpu.memref_slice %arg2[%dma_start3A_103, %dma_start3A_104] : memref<10000x128xf32, #tpu.memory_space<hbm>> -> memref<10000x128xf32, #tpu.memory_space<hbm>>
        tpu.enqueue_indirect_dma source(%dma_start3A_105 : memref<10000x128xf32, #tpu.memory_space<hbm>>) target(%arg13 : memref<125x128xf32, #tpu.memory_space<vmem>>) offsets(%dma_start3A_102 : memref<125xi32, #tpu.memory_space<vmem>>) semaphore(%arg16 : memref<!tpu.dma_semaphore, #tpu.memory_space<semaphore_mem>>)
      } else {
      }
    }
    %scan3A_36 = arith.constant 40 : i32
    %barrier3A_37 = arith.constant 0 : index
    tpu.barrier barrier_id(%barrier3A_37)
    %mul3A_38 = arith.constant 632 : i32
    %mul3A_39 = arith.muli %arg1, %mul3A_38 : i32
    %mul3A_40 = arith.constant 632 : i32
    %mul3A_41 = arith.muli %arg1, %mul3A_40 : i32
    "tpu.region"() ({
      %run_scoped3A = tpu.sem_alloc : memref<!tpu.dma_semaphore, #tpu.memory_space<semaphore_mem>>
      %dma_start3A_42 = arith.constant 0 : i32
      %dma_start3A_43 = tpu.memref_slice %arg6[%arg0, %mul3A_41, %dma_start3A_42] : memref<2x10112x128xf32, #tpu.memory_space<hbm>> -> memref<1x632x128xf32, #tpu.memory_space<hbm>>
      %dma_start3A_44 = tpu.memref_squeeze %dma_start3A_43 : memref<1x632x128xf32, #tpu.memory_space<hbm>> -> memref<632x128xf32, #tpu.memory_space<hbm>>
      %dma_start3A_45 = arith.constant 0 : i32
      %dma_start3A_46 = tpu.memref_slice %arg14[%mul3A_39, %dma_start3A_45] : memref<10112x128xf32, #tpu.memory_space<vmem_shared>> -> memref<632x128xf32, #tpu.memory_space<vmem_shared>>
      tpu.enqueue_dma source(%dma_start3A_46 : memref<632x128xf32, #tpu.memory_space<vmem_shared>>) target(%dma_start3A_44 : memref<632x128xf32, #tpu.memory_space<hbm>>) target_semaphore(%run_scoped3A : memref<!tpu.dma_semaphore, #tpu.memory_space<semaphore_mem>>)
      %dma_wait3A = arith.constant 0 : i32
      %dma_wait3A_47 = tpu.memref_slice %arg6[%arg0, %mul3A_41, %dma_wait3A] : memref<2x10112x128xf32, #tpu.memory_space<hbm>> -> memref<1x632x128xf32, #tpu.memory_space<hbm>>
      %dma_wait3A_48 = tpu.memref_squeeze %dma_wait3A_47 : memref<1x632x128xf32, #tpu.memory_space<hbm>> -> memref<632x128xf32, #tpu.memory_space<hbm>>
      %dma_wait3A_49 = arith.constant 0 : i32
      %dma_wait3A_50 = tpu.memref_slice %arg14[%mul3A_39, %dma_wait3A_49] : memref<10112x128xf32, #tpu.memory_space<vmem_shared>> -> memref<632x128xf32, #tpu.memory_space<vmem_shared>>
      tpu.wait_dma2 semaphore(%run_scoped3A : memref<!tpu.dma_semaphore, #tpu.memory_space<semaphore_mem>>) src(%dma_wait3A_50 : memref<632x128xf32, #tpu.memory_space<vmem_shared>>) dst(%dma_wait3A_48 : memref<632x128xf32, #tpu.memory_space<hbm>>)
      tpu.yield
    }) : () -> ()
    return
  }
}

#map = affine_map<(d0, d1) -> (0, 0)>
#map1 = affine_map<(d0, d1) -> (0, 0, 0)>
module attributes {stable_mosaic.version = 14 : i64} {
  func.func @agg(%arg0: i32, %arg1: i32, %arg2: memref<10000x128xf32, #tpu.memory_space<hbm>>, %arg3: memref<32x80x125xi32, #tpu.memory_space<hbm>>, %arg4: memref<32x80x125xi32, #tpu.memory_space<hbm>>, %arg5: memref<632x128xf32, #tpu.memory_space<hbm>>, %arg6: memref<2x10112x128xf32, #tpu.memory_space<hbm>>, %arg7: memref<80x125xi32, #tpu.memory_space<vmem>>, %arg8: memref<1x125xi32, #tpu.memory_space<vmem>>, %arg9: memref<1x125xi32, #tpu.memory_space<vmem>>, %arg10: memref<!tpu.dma_semaphore, #tpu.memory_space<semaphore_mem>>, %arg11: memref<!tpu.dma_semaphore, #tpu.memory_space<semaphore_mem>>, %arg12: memref<125x128xf32, #tpu.memory_space<vmem>>, %arg13: memref<125x128xf32, #tpu.memory_space<vmem>>, %arg14: memref<10112x128xf32, #tpu.memory_space<vmem_shared>>, %arg15: memref<!tpu.dma_semaphore, #tpu.memory_space<semaphore_mem>>, %arg16: memref<!tpu.dma_semaphore, #tpu.memory_space<semaphore_mem>>) attributes {dimension_semantics = [#tpu.dimension_semantics<core_parallel>, #tpu.dimension_semantics<subcore_parallel>], iteration_bounds = array<i64: 2, 16>, scalar_prefetch = 0 : i64, scratch_operands = 10 : i64, tpu.core_type = #tpu.core_type<sc_vector_subcore>, window_params = [{transform_indices = #map}, {transform_indices = #map1}, {transform_indices = #map1}, {transform_indices = #map}, {transform_indices = #map1}]} {
    %mul3A = arith.constant 2 : i32
    %mul3A_0 = arith.muli %arg1, %mul3A : i32
    %add3A = arith.addi %mul3A_0, %arg0 : i32
    %mul3A_1 = arith.constant 632 : i32
    %mul3A_2 = arith.muli %arg1, %mul3A_1 : i32
    "tpu.region"() ({
      %run_scoped3A = tpu.sem_alloc : memref<!tpu.dma_semaphore, #tpu.memory_space<semaphore_mem>>
      %dma_start3A_42 = arith.constant 0 : i32
      %dma_start3A_43 = tpu.memref_slice %arg14[%mul3A_2, %dma_start3A_42] : memref<10112x128xf32, #tpu.memory_space<vmem_shared>> -> memref<632x128xf32, #tpu.memory_space<vmem_shared>>
      tpu.enqueue_dma source(%arg5 : memref<632x128xf32, #tpu.memory_space<hbm>>) target(%dma_start3A_43 : memref<632x128xf32, #tpu.memory_space<vmem_shared>>) target_semaphore(%run_scoped3A : memref<!tpu.dma_semaphore, #tpu.memory_space<semaphore_mem>>)
      %dma_wait3A = arith.constant 0 : i32
      %dma_wait3A_44 = tpu.memref_slice %arg14[%mul3A_2, %dma_wait3A] : memref<10112x128xf32, #tpu.memory_space<vmem_shared>> -> memref<632x128xf32, #tpu.memory_space<vmem_shared>>
      tpu.wait_dma2 semaphore(%run_scoped3A : memref<!tpu.dma_semaphore, #tpu.memory_space<semaphore_mem>>) src(%arg5 : memref<632x128xf32, #tpu.memory_space<hbm>>) dst(%dma_wait3A_44 : memref<632x128xf32, #tpu.memory_space<vmem_shared>>)
      tpu.yield
    }) : () -> ()
    "tpu.region"() ({
      %run_scoped3A = tpu.sem_alloc : memref<!tpu.dma_semaphore, #tpu.memory_space<semaphore_mem>>
      %dma_start3A_42 = arith.constant 0 : i32
      %dma_start3A_43 = arith.constant 0 : i32
      %dma_start3A_44 = tpu.memref_slice %arg3[%add3A, %dma_start3A_42, %dma_start3A_43] : memref<32x80x125xi32, #tpu.memory_space<hbm>> -> memref<1x80x125xi32, #tpu.memory_space<hbm>>
      %dma_start3A_45 = tpu.memref_squeeze %dma_start3A_44 : memref<1x80x125xi32, #tpu.memory_space<hbm>> -> memref<80x125xi32, #tpu.memory_space<hbm>>
      %dma_start3A_46 = arith.constant 0 : i32
      %dma_start3A_47 = arith.constant 0 : i32
      %dma_start3A_48 = tpu.memref_slice %arg3[%add3A, %dma_start3A_46, %dma_start3A_47] : memref<32x80x125xi32, #tpu.memory_space<hbm>> -> memref<1x80x125xi32, #tpu.memory_space<hbm>>
      %dma_start3A_49 = tpu.memref_squeeze %dma_start3A_48 : memref<1x80x125xi32, #tpu.memory_space<hbm>> -> memref<80x125xi32, #tpu.memory_space<hbm>>
      tpu.enqueue_dma source(%dma_start3A_49 : memref<80x125xi32, #tpu.memory_space<hbm>>) target(%arg7 : memref<80x125xi32, #tpu.memory_space<vmem>>) target_semaphore(%run_scoped3A : memref<!tpu.dma_semaphore, #tpu.memory_space<semaphore_mem>>)
      %dma_wait3A = arith.constant 0 : i32
      %dma_wait3A_50 = arith.constant 0 : i32
      %dma_wait3A_51 = tpu.memref_slice %arg3[%add3A, %dma_wait3A, %dma_wait3A_50] : memref<32x80x125xi32, #tpu.memory_space<hbm>> -> memref<1x80x125xi32, #tpu.memory_space<hbm>>
      %dma_wait3A_52 = tpu.memref_squeeze %dma_wait3A_51 : memref<1x80x125xi32, #tpu.memory_space<hbm>> -> memref<80x125xi32, #tpu.memory_space<hbm>>
      %dma_wait3A_53 = arith.constant 0 : i32
      %dma_wait3A_54 = arith.constant 0 : i32
      %dma_wait3A_55 = tpu.memref_slice %arg3[%add3A, %dma_wait3A_53, %dma_wait3A_54] : memref<32x80x125xi32, #tpu.memory_space<hbm>> -> memref<1x80x125xi32, #tpu.memory_space<hbm>>
      %dma_wait3A_56 = tpu.memref_squeeze %dma_wait3A_55 : memref<1x80x125xi32, #tpu.memory_space<hbm>> -> memref<80x125xi32, #tpu.memory_space<hbm>>
      tpu.wait_dma2 semaphore(%run_scoped3A : memref<!tpu.dma_semaphore, #tpu.memory_space<semaphore_mem>>) src(%dma_wait3A_56 : memref<80x125xi32, #tpu.memory_space<hbm>>) dst(%arg7 : memref<80x125xi32, #tpu.memory_space<vmem>>)
      tpu.yield
    }) : () -> ()
    %barrier3A = arith.constant 0 : index
    tpu.barrier barrier_id(%barrier3A)
    %dma_start3A = arith.constant 0 : i32
    %dma_start3A_3 = arith.constant 0 : i32
    %dma_start3A_4 = tpu.memref_slice %arg4[%add3A, %dma_start3A, %dma_start3A_3] : memref<32x80x125xi32, #tpu.memory_space<hbm>> -> memref<1x1x125xi32, #tpu.memory_space<hbm>>
    %dma_start3A_5 = tpu.memref_squeeze %dma_start3A_4 : memref<1x1x125xi32, #tpu.memory_space<hbm>> -> memref<1x125xi32, #tpu.memory_space<hbm>>
    %dma_start3A_6 = arith.constant 0 : i32
    %dma_start3A_7 = arith.constant 0 : i32
    %dma_start3A_8 = tpu.memref_slice %arg4[%add3A, %dma_start3A_6, %dma_start3A_7] : memref<32x80x125xi32, #tpu.memory_space<hbm>> -> memref<1x1x125xi32, #tpu.memory_space<hbm>>
    %dma_start3A_9 = tpu.memref_squeeze %dma_start3A_8 : memref<1x1x125xi32, #tpu.memory_space<hbm>> -> memref<1x125xi32, #tpu.memory_space<hbm>>
    tpu.enqueue_dma source(%dma_start3A_9 : memref<1x125xi32, #tpu.memory_space<hbm>>) target(%arg8 : memref<1x125xi32, #tpu.memory_space<vmem>>) target_semaphore(%arg10 : memref<!tpu.dma_semaphore, #tpu.memory_space<semaphore_mem>>)
    %dma_start3A_10 = arith.constant 0 : i32
    %dma_start3A_11 = arith.constant 0 : i32
    %dma_start3A_12 = tpu.memref_slice %arg7[%dma_start3A_10, %dma_start3A_11] : memref<80x125xi32, #tpu.memory_space<vmem>> -> memref<1x125xi32, #tpu.memory_space<vmem>>
    %dma_start3A_13 = tpu.memref_squeeze %dma_start3A_12 : memref<1x125xi32, #tpu.memory_space<vmem>> -> memref<125xi32, #tpu.memory_space<vmem>>
    %dma_start3A_14 = arith.constant 0 : i32
    %dma_start3A_15 = arith.constant 0 : i32
    %dma_start3A_16 = tpu.memref_slice %arg2[%dma_start3A_14, %dma_start3A_15] : memref<10000x128xf32, #tpu.memory_space<hbm>> -> memref<10000x128xf32, #tpu.memory_space<hbm>>
    tpu.enqueue_indirect_dma source(%dma_start3A_16 : memref<10000x128xf32, #tpu.memory_space<hbm>>) target(%arg12 : memref<125x128xf32, #tpu.memory_space<vmem>>) offsets(%dma_start3A_13 : memref<125xi32, #tpu.memory_space<vmem>>) semaphore(%arg15 : memref<!tpu.dma_semaphore, #tpu.memory_space<semaphore_mem>>)
    %dma_start3A_17 = arith.constant 1 : i32
    %dma_start3A_18 = arith.constant 0 : i32
    %dma_start3A_19 = tpu.memref_slice %arg4[%add3A, %dma_start3A_17, %dma_start3A_18] : memref<32x80x125xi32, #tpu.memory_space<hbm>> -> memref<1x1x125xi32, #tpu.memory_space<hbm>>
    %dma_start3A_20 = tpu.memref_squeeze %dma_start3A_19 : memref<1x1x125xi32, #tpu.memory_space<hbm>> -> memref<1x125xi32, #tpu.memory_space<hbm>>
    %dma_start3A_21 = arith.constant 1 : i32
    %dma_start3A_22 = arith.constant 0 : i32
    %dma_start3A_23 = tpu.memref_slice %arg4[%add3A, %dma_start3A_21, %dma_start3A_22] : memref<32x80x125xi32, #tpu.memory_space<hbm>> -> memref<1x1x125xi32, #tpu.memory_space<hbm>>
    %dma_start3A_24 = tpu.memref_squeeze %dma_start3A_23 : memref<1x1x125xi32, #tpu.memory_space<hbm>> -> memref<1x125xi32, #tpu.memory_space<hbm>>
    tpu.enqueue_dma source(%dma_start3A_24 : memref<1x125xi32, #tpu.memory_space<hbm>>) target(%arg9 : memref<1x125xi32, #tpu.memory_space<vmem>>) target_semaphore(%arg11 : memref<!tpu.dma_semaphore, #tpu.memory_space<semaphore_mem>>)
    %dma_start3A_25 = arith.constant 1 : i32
    %dma_start3A_26 = arith.constant 0 : i32
    %dma_start3A_27 = tpu.memref_slice %arg7[%dma_start3A_25, %dma_start3A_26] : memref<80x125xi32, #tpu.memory_space<vmem>> -> memref<1x125xi32, #tpu.memory_space<vmem>>
    %dma_start3A_28 = tpu.memref_squeeze %dma_start3A_27 : memref<1x125xi32, #tpu.memory_space<vmem>> -> memref<125xi32, #tpu.memory_space<vmem>>
    %dma_start3A_29 = arith.constant 0 : i32
    %dma_start3A_30 = arith.constant 0 : i32
    %dma_start3A_31 = tpu.memref_slice %arg2[%dma_start3A_29, %dma_start3A_30] : memref<10000x128xf32, #tpu.memory_space<hbm>> -> memref<10000x128xf32, #tpu.memory_space<hbm>>
    tpu.enqueue_indirect_dma source(%dma_start3A_31 : memref<10000x128xf32, #tpu.memory_space<hbm>>) target(%arg13 : memref<125x128xf32, #tpu.memory_space<vmem>>) offsets(%dma_start3A_28 : memref<125xi32, #tpu.memory_space<vmem>>) semaphore(%arg16 : memref<!tpu.dma_semaphore, #tpu.memory_space<semaphore_mem>>)
    %scan3A = arith.constant 0 : i32
    %scan3A_32 = arith.constant 0 : i32
    %scan3A_33 = arith.constant 40 : i32
    %scan3A_34 = arith.addi %scan3A_32, %scan3A_33 : i32
    %scan3A_35 = arith.constant 1 : i32
    scf.for %scan3A_42 = %scan3A_32 to %scan3A_34 step %scan3A_35  : i32 {
      %mul3A_43 = arith.constant 2 : i32
      %mul3A_44 = arith.muli %mul3A_43, %scan3A_42 : i32
      %mul3A_45 = arith.constant 2 : i32
      %mul3A_46 = arith.muli %mul3A_45, %scan3A_42 : i32
      %add3A_47 = arith.constant 1 : i32
      %add3A_48 = arith.addi %mul3A_46, %add3A_47 : i32
      %dma_wait3A = arith.constant 0 : i32
      %dma_wait3A_49 = arith.constant 0 : i32
      %dma_wait3A_50 = tpu.memref_slice %arg4[%add3A, %dma_wait3A, %dma_wait3A_49] : memref<32x80x125xi32, #tpu.memory_space<hbm>> -> memref<1x1x125xi32, #tpu.memory_space<hbm>>
      %dma_wait3A_51 = tpu.memref_squeeze %dma_wait3A_50 : memref<1x1x125xi32, #tpu.memory_space<hbm>> -> memref<1x125xi32, #tpu.memory_space<hbm>>
      %dma_wait3A_52 = arith.constant 0 : i32
      %dma_wait3A_53 = arith.constant 0 : i32
      %dma_wait3A_54 = tpu.memref_slice %arg4[%add3A, %dma_wait3A_52, %dma_wait3A_53] : memref<32x80x125xi32, #tpu.memory_space<hbm>> -> memref<1x1x125xi32, #tpu.memory_space<hbm>>
      %dma_wait3A_55 = tpu.memref_squeeze %dma_wait3A_54 : memref<1x1x125xi32, #tpu.memory_space<hbm>> -> memref<1x125xi32, #tpu.memory_space<hbm>>
      tpu.wait_dma2 semaphore(%arg10 : memref<!tpu.dma_semaphore, #tpu.memory_space<semaphore_mem>>) src(%dma_wait3A_55 : memref<1x125xi32, #tpu.memory_space<hbm>>) dst(%arg8 : memref<1x125xi32, #tpu.memory_space<vmem>>)
      %dma_wait3A_56 = arith.constant 0 : i32
      %dma_wait3A_57 = arith.constant 0 : i32
      %dma_wait3A_58 = tpu.memref_slice %arg7[%dma_wait3A_56, %dma_wait3A_57] : memref<80x125xi32, #tpu.memory_space<vmem>> -> memref<1x125xi32, #tpu.memory_space<vmem>>
      %dma_wait3A_59 = tpu.memref_squeeze %dma_wait3A_58 : memref<1x125xi32, #tpu.memory_space<vmem>> -> memref<125xi32, #tpu.memory_space<vmem>>
      %dma_wait3A_60 = arith.constant 0 : i32
      %dma_wait3A_61 = arith.constant 0 : i32
      %dma_wait3A_62 = tpu.memref_slice %arg2[%dma_wait3A_60, %dma_wait3A_61] : memref<10000x128xf32, #tpu.memory_space<hbm>> -> memref<10000x128xf32, #tpu.memory_space<hbm>>
      tpu.wait_indirect_dma semaphore(%arg15 : memref<!tpu.dma_semaphore, #tpu.memory_space<semaphore_mem>>) src(%dma_wait3A_62 : memref<10000x128xf32, #tpu.memory_space<hbm>>) dst(%arg12 : memref<125x128xf32, #tpu.memory_space<vmem>>)
      %run_scoped3A = arith.constant 0 : i32
      "tpu.region"() ({
        %run_scoped3A_90 = tpu.sem_alloc : memref<!tpu.dma_semaphore, #tpu.memory_space<semaphore_mem>>
        %dma_start3A_91 = arith.constant 0 : i32
        %dma_start3A_92 = tpu.memref_slice %arg8[%run_scoped3A, %dma_start3A_91] : memref<1x125xi32, #tpu.memory_space<vmem>> -> memref<1x125xi32, #tpu.memory_space<vmem>>
        %dma_start3A_93 = tpu.memref_squeeze %dma_start3A_92 : memref<1x125xi32, #tpu.memory_space<vmem>> -> memref<125xi32, #tpu.memory_space<vmem>>
        %dma_start3A_94 = arith.constant 0 : i32
        %dma_start3A_95 = arith.constant 0 : i32
        %dma_start3A_96 = tpu.memref_slice %arg14[%dma_start3A_94, %dma_start3A_95] : memref<10112x128xf32, #tpu.memory_space<vmem_shared>> -> memref<10112x128xf32, #tpu.memory_space<vmem_shared>>
        tpu.enqueue_indirect_dma source(%arg12 : memref<125x128xf32, #tpu.memory_space<vmem>>) target(%dma_start3A_96 : memref<10112x128xf32, #tpu.memory_space<vmem_shared>>) offsets(%dma_start3A_93 : memref<125xi32, #tpu.memory_space<vmem>>) semaphore(%run_scoped3A_90 : memref<!tpu.dma_semaphore, #tpu.memory_space<semaphore_mem>>) {add = true}
        %dma_wait3A_97 = arith.constant 0 : i32
        %dma_wait3A_98 = tpu.memref_slice %arg8[%run_scoped3A, %dma_wait3A_97] : memref<1x125xi32, #tpu.memory_space<vmem>> -> memref<1x125xi32, #tpu.memory_space<vmem>>
        %dma_wait3A_99 = tpu.memref_squeeze %dma_wait3A_98 : memref<1x125xi32, #tpu.memory_space<vmem>> -> memref<125xi32, #tpu.memory_space<vmem>>
        %dma_wait3A_100 = arith.constant 0 : i32
        %dma_wait3A_101 = arith.constant 0 : i32
        %dma_wait3A_102 = tpu.memref_slice %arg14[%dma_wait3A_100, %dma_wait3A_101] : memref<10112x128xf32, #tpu.memory_space<vmem_shared>> -> memref<10112x128xf32, #tpu.memory_space<vmem_shared>>
        tpu.wait_indirect_dma semaphore(%run_scoped3A_90 : memref<!tpu.dma_semaphore, #tpu.memory_space<semaphore_mem>>) src(%arg12 : memref<125x128xf32, #tpu.memory_space<vmem>>) dst(%dma_wait3A_102 : memref<10112x128xf32, #tpu.memory_space<vmem_shared>>)
        tpu.yield
      }) : () -> ()
      %add3A_63 = arith.constant 2 : i32
      %add3A_64 = arith.addi %mul3A_44, %add3A_63 : i32
      %lt3A = arith.constant 80 : i32
      %lt3A_65 = arith.cmpi slt, %add3A_64, %lt3A : i32
      %convert_element_type3A = arith.extui %lt3A_65 : i1 to i32
      %cond3A = arith.constant 0 : i32
      %cond3A_66 = arith.cmpi ne, %convert_element_type3A, %cond3A : i32
      scf.if %cond3A_66 {
        %add3A_90 = arith.constant 2 : i32
        %add3A_91 = arith.addi %mul3A_44, %add3A_90 : i32
        %dma_start3A_92 = arith.constant 0 : i32
        %dma_start3A_93 = tpu.memref_slice %arg4[%add3A, %add3A_91, %dma_start3A_92] : memref<32x80x125xi32, #tpu.memory_space<hbm>> -> memref<1x1x125xi32, #tpu.memory_space<hbm>>
        %dma_start3A_94 = tpu.memref_squeeze %dma_start3A_93 : memref<1x1x125xi32, #tpu.memory_space<hbm>> -> memref<1x125xi32, #tpu.memory_space<hbm>>
        %dma_start3A_95 = arith.constant 0 : i32
        %dma_start3A_96 = tpu.memref_slice %arg4[%add3A, %add3A_91, %dma_start3A_95] : memref<32x80x125xi32, #tpu.memory_space<hbm>> -> memref<1x1x125xi32, #tpu.memory_space<hbm>>
        %dma_start3A_97 = tpu.memref_squeeze %dma_start3A_96 : memref<1x1x125xi32, #tpu.memory_space<hbm>> -> memref<1x125xi32, #tpu.memory_space<hbm>>
        tpu.enqueue_dma source(%dma_start3A_97 : memref<1x125xi32, #tpu.memory_space<hbm>>) target(%arg8 : memref<1x125xi32, #tpu.memory_space<vmem>>) target_semaphore(%arg10 : memref<!tpu.dma_semaphore, #tpu.memory_space<semaphore_mem>>)
        %add3A_98 = arith.constant 2 : i32
        %add3A_99 = arith.addi %mul3A_44, %add3A_98 : i32
        %dma_start3A_100 = arith.constant 0 : i32
        %dma_start3A_101 = tpu.memref_slice %arg7[%add3A_99, %dma_start3A_100] : memref<80x125xi32, #tpu.memory_space<vmem>> -> memref<1x125xi32, #tpu.memory_space<vmem>>
        %dma_start3A_102 = tpu.memref_squeeze %dma_start3A_101 : memref<1x125xi32, #tpu.memory_space<vmem>> -> memref<125xi32, #tpu.memory_space<vmem>>
        %dma_start3A_103 = arith.constant 0 : i32
        %dma_start3A_104 = arith.constant 0 : i32
        %dma_start3A_105 = tpu.memref_slice %arg2[%dma_start3A_103, %dma_start3A_104] : memref<10000x128xf32, #tpu.memory_space<hbm>> -> memref<10000x128xf32, #tpu.memory_space<hbm>>
        tpu.enqueue_indirect_dma source(%dma_start3A_105 : memref<10000x128xf32, #tpu.memory_space<hbm>>) target(%arg12 : memref<125x128xf32, #tpu.memory_space<vmem>>) offsets(%dma_start3A_102 : memref<125xi32, #tpu.memory_space<vmem>>) semaphore(%arg15 : memref<!tpu.dma_semaphore, #tpu.memory_space<semaphore_mem>>)
      } else {
      }
      %dma_wait3A_67 = arith.constant 1 : i32
      %dma_wait3A_68 = arith.constant 0 : i32
      %dma_wait3A_69 = tpu.memref_slice %arg4[%add3A, %dma_wait3A_67, %dma_wait3A_68] : memref<32x80x125xi32, #tpu.memory_space<hbm>> -> memref<1x1x125xi32, #tpu.memory_space<hbm>>
      %dma_wait3A_70 = tpu.memref_squeeze %dma_wait3A_69 : memref<1x1x125xi32, #tpu.memory_space<hbm>> -> memref<1x125xi32, #tpu.memory_space<hbm>>
      %dma_wait3A_71 = arith.constant 1 : i32
      %dma_wait3A_72 = arith.constant 0 : i32
      %dma_wait3A_73 = tpu.memref_slice %arg4[%add3A, %dma_wait3A_71, %dma_wait3A_72] : memref<32x80x125xi32, #tpu.memory_space<hbm>> -> memref<1x1x125xi32, #tpu.memory_space<hbm>>
      %dma_wait3A_74 = tpu.memref_squeeze %dma_wait3A_73 : memref<1x1x125xi32, #tpu.memory_space<hbm>> -> memref<1x125xi32, #tpu.memory_space<hbm>>
      tpu.wait_dma2 semaphore(%arg11 : memref<!tpu.dma_semaphore, #tpu.memory_space<semaphore_mem>>) src(%dma_wait3A_74 : memref<1x125xi32, #tpu.memory_space<hbm>>) dst(%arg9 : memref<1x125xi32, #tpu.memory_space<vmem>>)
      %dma_wait3A_75 = arith.constant 0 : i32
      %dma_wait3A_76 = arith.constant 0 : i32
      %dma_wait3A_77 = tpu.memref_slice %arg7[%dma_wait3A_75, %dma_wait3A_76] : memref<80x125xi32, #tpu.memory_space<vmem>> -> memref<1x125xi32, #tpu.memory_space<vmem>>
      %dma_wait3A_78 = tpu.memref_squeeze %dma_wait3A_77 : memref<1x125xi32, #tpu.memory_space<vmem>> -> memref<125xi32, #tpu.memory_space<vmem>>
      %dma_wait3A_79 = arith.constant 0 : i32
      %dma_wait3A_80 = arith.constant 0 : i32
      %dma_wait3A_81 = tpu.memref_slice %arg2[%dma_wait3A_79, %dma_wait3A_80] : memref<10000x128xf32, #tpu.memory_space<hbm>> -> memref<10000x128xf32, #tpu.memory_space<hbm>>
      tpu.wait_indirect_dma semaphore(%arg16 : memref<!tpu.dma_semaphore, #tpu.memory_space<semaphore_mem>>) src(%dma_wait3A_81 : memref<10000x128xf32, #tpu.memory_space<hbm>>) dst(%arg13 : memref<125x128xf32, #tpu.memory_space<vmem>>)
      %run_scoped3A_82 = arith.constant 0 : i32
      "tpu.region"() ({
        %run_scoped3A_90 = tpu.sem_alloc : memref<!tpu.dma_semaphore, #tpu.memory_space<semaphore_mem>>
        %dma_start3A_91 = arith.constant 0 : i32
        %dma_start3A_92 = tpu.memref_slice %arg9[%run_scoped3A_82, %dma_start3A_91] : memref<1x125xi32, #tpu.memory_space<vmem>> -> memref<1x125xi32, #tpu.memory_space<vmem>>
        %dma_start3A_93 = tpu.memref_squeeze %dma_start3A_92 : memref<1x125xi32, #tpu.memory_space<vmem>> -> memref<125xi32, #tpu.memory_space<vmem>>
        %dma_start3A_94 = arith.constant 0 : i32
        %dma_start3A_95 = arith.constant 0 : i32
        %dma_start3A_96 = tpu.memref_slice %arg14[%dma_start3A_94, %dma_start3A_95] : memref<10112x128xf32, #tpu.memory_space<vmem_shared>> -> memref<10112x128xf32, #tpu.memory_space<vmem_shared>>
        tpu.enqueue_indirect_dma source(%arg13 : memref<125x128xf32, #tpu.memory_space<vmem>>) target(%dma_start3A_96 : memref<10112x128xf32, #tpu.memory_space<vmem_shared>>) offsets(%dma_start3A_93 : memref<125xi32, #tpu.memory_space<vmem>>) semaphore(%run_scoped3A_90 : memref<!tpu.dma_semaphore, #tpu.memory_space<semaphore_mem>>) {add = true}
        %dma_wait3A_97 = arith.constant 0 : i32
        %dma_wait3A_98 = tpu.memref_slice %arg9[%run_scoped3A_82, %dma_wait3A_97] : memref<1x125xi32, #tpu.memory_space<vmem>> -> memref<1x125xi32, #tpu.memory_space<vmem>>
        %dma_wait3A_99 = tpu.memref_squeeze %dma_wait3A_98 : memref<1x125xi32, #tpu.memory_space<vmem>> -> memref<125xi32, #tpu.memory_space<vmem>>
        %dma_wait3A_100 = arith.constant 0 : i32
        %dma_wait3A_101 = arith.constant 0 : i32
        %dma_wait3A_102 = tpu.memref_slice %arg14[%dma_wait3A_100, %dma_wait3A_101] : memref<10112x128xf32, #tpu.memory_space<vmem_shared>> -> memref<10112x128xf32, #tpu.memory_space<vmem_shared>>
        tpu.wait_indirect_dma semaphore(%run_scoped3A_90 : memref<!tpu.dma_semaphore, #tpu.memory_space<semaphore_mem>>) src(%arg13 : memref<125x128xf32, #tpu.memory_space<vmem>>) dst(%dma_wait3A_102 : memref<10112x128xf32, #tpu.memory_space<vmem_shared>>)
        tpu.yield
      }) : () -> ()
      %add3A_83 = arith.constant 2 : i32
      %add3A_84 = arith.addi %add3A_48, %add3A_83 : i32
      %lt3A_85 = arith.constant 80 : i32
      %lt3A_86 = arith.cmpi slt, %add3A_84, %lt3A_85 : i32
      %convert_element_type3A_87 = arith.extui %lt3A_86 : i1 to i32
      %cond3A_88 = arith.constant 0 : i32
      %cond3A_89 = arith.cmpi ne, %convert_element_type3A_87, %cond3A_88 : i32
      scf.if %cond3A_89 {
        %add3A_90 = arith.constant 2 : i32
        %add3A_91 = arith.addi %add3A_48, %add3A_90 : i32
        %dma_start3A_92 = arith.constant 0 : i32
        %dma_start3A_93 = tpu.memref_slice %arg4[%add3A, %add3A_91, %dma_start3A_92] : memref<32x80x125xi32, #tpu.memory_space<hbm>> -> memref<1x1x125xi32, #tpu.memory_space<hbm>>
        %dma_start3A_94 = tpu.memref_squeeze %dma_start3A_93 : memref<1x1x125xi32, #tpu.memory_space<hbm>> -> memref<1x125xi32, #tpu.memory_space<hbm>>
        %dma_start3A_95 = arith.constant 0 : i32
        %dma_start3A_96 = tpu.memref_slice %arg4[%add3A, %add3A_91, %dma_start3A_95] : memref<32x80x125xi32, #tpu.memory_space<hbm>> -> memref<1x1x125xi32, #tpu.memory_space<hbm>>
        %dma_start3A_97 = tpu.memref_squeeze %dma_start3A_96 : memref<1x1x125xi32, #tpu.memory_space<hbm>> -> memref<1x125xi32, #tpu.memory_space<hbm>>
        tpu.enqueue_dma source(%dma_start3A_97 : memref<1x125xi32, #tpu.memory_space<hbm>>) target(%arg9 : memref<1x125xi32, #tpu.memory_space<vmem>>) target_semaphore(%arg11 : memref<!tpu.dma_semaphore, #tpu.memory_space<semaphore_mem>>)
        %add3A_98 = arith.constant 2 : i32
        %add3A_99 = arith.addi %add3A_48, %add3A_98 : i32
        %dma_start3A_100 = arith.constant 0 : i32
        %dma_start3A_101 = tpu.memref_slice %arg7[%add3A_99, %dma_start3A_100] : memref<80x125xi32, #tpu.memory_space<vmem>> -> memref<1x125xi32, #tpu.memory_space<vmem>>
        %dma_start3A_102 = tpu.memref_squeeze %dma_start3A_101 : memref<1x125xi32, #tpu.memory_space<vmem>> -> memref<125xi32, #tpu.memory_space<vmem>>
        %dma_start3A_103 = arith.constant 0 : i32
        %dma_start3A_104 = arith.constant 0 : i32
        %dma_start3A_105 = tpu.memref_slice %arg2[%dma_start3A_103, %dma_start3A_104] : memref<10000x128xf32, #tpu.memory_space<hbm>> -> memref<10000x128xf32, #tpu.memory_space<hbm>>
        tpu.enqueue_indirect_dma source(%dma_start3A_105 : memref<10000x128xf32, #tpu.memory_space<hbm>>) target(%arg13 : memref<125x128xf32, #tpu.memory_space<vmem>>) offsets(%dma_start3A_102 : memref<125xi32, #tpu.memory_space<vmem>>) semaphore(%arg16 : memref<!tpu.dma_semaphore, #tpu.memory_space<semaphore_mem>>)
      } else {
      }
    }
    %scan3A_36 = arith.constant 40 : i32
    %barrier3A_37 = arith.constant 0 : index
    tpu.barrier barrier_id(%barrier3A_37)
    %mul3A_38 = arith.constant 632 : i32
    %mul3A_39 = arith.muli %arg1, %mul3A_38 : i32
    %mul3A_40 = arith.constant 632 : i32
    %mul3A_41 = arith.muli %arg1, %mul3A_40 : i32
    "tpu.region"() ({
      %run_scoped3A = tpu.sem_alloc : memref<!tpu.dma_semaphore, #tpu.memory_space<semaphore_mem>>
      %dma_start3A_42 = arith.constant 0 : i32
      %dma_start3A_43 = tpu.memref_slice %arg6[%arg0, %mul3A_41, %dma_start3A_42] : memref<2x10112x128xf32, #tpu.memory_space<hbm>> -> memref<1x632x128xf32, #tpu.memory_space<hbm>>
      %dma_start3A_44 = tpu.memref_squeeze %dma_start3A_43 : memref<1x632x128xf32, #tpu.memory_space<hbm>> -> memref<632x128xf32, #tpu.memory_space<hbm>>
      %dma_start3A_45 = arith.constant 0 : i32
      %dma_start3A_46 = tpu.memref_slice %arg14[%mul3A_39, %dma_start3A_45] : memref<10112x128xf32, #tpu.memory_space<vmem_shared>> -> memref<632x128xf32, #tpu.memory_space<vmem_shared>>
      tpu.enqueue_dma source(%dma_start3A_46 : memref<632x128xf32, #tpu.memory_space<vmem_shared>>) target(%dma_start3A_44 : memref<632x128xf32, #tpu.memory_space<hbm>>) target_semaphore(%run_scoped3A : memref<!tpu.dma_semaphore, #tpu.memory_space<semaphore_mem>>)
      %dma_wait3A = arith.constant 0 : i32
      %dma_wait3A_47 = tpu.memref_slice %arg6[%arg0, %mul3A_41, %dma_wait3A] : memref<2x10112x128xf32, #tpu.memory_space<hbm>> -> memref<1x632x128xf32, #tpu.memory_space<hbm>>
      %dma_wait3A_48 = tpu.memref_squeeze %dma_wait3A_47 : memref<1x632x128xf32, #tpu.memory_space<hbm>> -> memref<632x128xf32, #tpu.memory_space<hbm>>
      %dma_wait3A_49 = arith.constant 0 : i32
      %dma_wait3A_50 = tpu.memref_slice %arg14[%mul3A_39, %dma_wait3A_49] : memref<10112x128xf32, #tpu.memory_space<vmem_shared>> -> memref<632x128xf32, #tpu.memory_space<vmem_shared>>
      tpu.wait_dma2 semaphore(%run_scoped3A : memref<!tpu.dma_semaphore, #tpu.memory_space<semaphore_mem>>) src(%dma_wait3A_50 : memref<632x128xf32, #tpu.memory_space<vmem_shared>>) dst(%dma_wait3A_48 : memref<632x128xf32, #tpu.memory_space<hbm>>)
      tpu.yield
    }) : () -> ()
    return
  }
}

module attributes {stable_mosaic.version = 14 : i64} {
  func.func @body(%arg0: memref<2x10112x8xf32, #tpu.memory_space<vmem>>, %arg1: memref<10000x3xf32, #tpu.memory_space<vmem>>, %arg2: memref<3x128xf32, #tpu.memory_space<vmem>>, %arg3: memref<10000x1xf32, #tpu.memory_space<vmem>>, %arg4: memref<10000x128xf32, #tpu.memory_space<vmem>>) attributes {dimension_semantics = [], scalar_prefetch = 0 : i64, scratch_operands = 0 : i64, tpu.core_type = #tpu.core_type<tc>} {
    %get3A = arith.constant 0 : index
    %get3A_0 = arith.constant 0 : index
    %get3A_1 = arith.constant 0 : index
    %get3A_2 = vector.load %arg0[%get3A, %get3A_0, %get3A_1] : memref<2x10112x8xf32, #tpu.memory_space<vmem>>, vector<1x10112x8xf32>
    %get3A_3 = vector.shape_cast %get3A_2 : vector<1x10112x8xf32> to vector<10112x8xf32>
    %get3A_4 = arith.constant 1 : index
    %get3A_5 = arith.constant 0 : index
    %get3A_6 = arith.constant 0 : index
    %get3A_7 = vector.load %arg0[%get3A_4, %get3A_5, %get3A_6] : memref<2x10112x8xf32, #tpu.memory_space<vmem>>, vector<1x10112x8xf32>
    %get3A_8 = vector.shape_cast %get3A_7 : vector<1x10112x8xf32> to vector<10112x8xf32>
    %add3A = arith.addf %get3A_3, %get3A_8 : vector<10112x8xf32>
    %slice3A = vector.extract_strided_slice %add3A {offsets = [0, 0], sizes = [10000, 8], strides = [1, 1]} : vector<10112x8xf32> to vector<10000x8xf32>
    %slice3A_9 = vector.extract_strided_slice %slice3A {offsets = [0, 0], sizes = [10000, 1], strides = [1, 1]} : vector<10000x8xf32> to vector<10000x1xf32>
    %add3A_10 = arith.constant 1.000000e+00 : f32
    %add3A_11 = vector.broadcast %add3A_10 : f32 to vector<10000x1xf32>
    %add3A_12 = arith.addf %slice3A_9, %add3A_11 : vector<10000x1xf32>
    %rsqrt3A = math.rsqrt %add3A_12 : vector<10000x1xf32>
    %swap3A = arith.constant 0 : index
    %swap3A_13 = arith.constant 0 : index
    %swap3A_14 = vector.load %arg3[%swap3A, %swap3A_13] : memref<10000x1xf32, #tpu.memory_space<vmem>>, vector<10000x1xf32>
    tpu.vector_store %arg3[%swap3A, %swap3A_13], %rsqrt3A {strides = array<i32>} : memref<10000x1xf32, #tpu.memory_space<vmem>>, vector<10000x1xf32>,
    %get3A_15 = arith.constant 0 : index
    %get3A_16 = arith.constant 0 : index
    %get3A_17 = vector.load %arg1[%get3A_15, %get3A_16] : memref<10000x3xf32, #tpu.memory_space<vmem>>, vector<10000x3xf32>
    %get3A_18 = arith.constant 0 : index
    %get3A_19 = arith.constant 0 : index
    %get3A_20 = vector.load %arg2[%get3A_18, %get3A_19] : memref<3x128xf32, #tpu.memory_space<vmem>>, vector<3x128xf32>
    %dot_general3A = arith.constant dense<0.000000e+00> : vector<10000x128xf32>
    %dot_general3A_21 = tpu.matmul %get3A_17, %get3A_20, %dot_general3A {dimension_numbers = #tpu.dot_dimension_numbers<[1], [0], [0], [1], [0, 0, 1, 1], [], []>, transpose_lhs_hint = false} : vector<10000x3xf32>, vector<3x128xf32>, vector<10000x128xf32> -> vector<10000x128xf32>
    %mul3A = vector.broadcast %rsqrt3A : vector<10000x1xf32> to vector<10000x128xf32>
    %mul3A_22 = arith.mulf %mul3A, %dot_general3A_21 : vector<10000x128xf32>
    %swap3A_23 = arith.constant 0 : index
    %swap3A_24 = arith.constant 0 : index
    %swap3A_25 = vector.load %arg4[%swap3A_23, %swap3A_24] : memref<10000x128xf32, #tpu.memory_space<vmem>>, vector<10000x128xf32>
    tpu.vector_store %arg4[%swap3A_23, %swap3A_24], %mul3A_22 {strides = array<i32>} : memref<10000x128xf32, #tpu.memory_space<vmem>>, vector<10000x128xf32>,
    return
  }
}

module attributes {stable_mosaic.version = 14 : i64} {
  func.func @body(%arg0: memref<2x10112x128xf32, #tpu.memory_space<vmem>>, %arg1: memref<10000x128xf32, #tpu.memory_space<vmem>>, %arg2: memref<10000x1xf32, #tpu.memory_space<vmem>>, %arg3: memref<1x128xf32, #tpu.memory_space<vmem>>, %arg4: memref<128x128xf32, #tpu.memory_space<vmem>>, %arg5: memref<10000x128xf32, #tpu.memory_space<vmem>>) attributes {dimension_semantics = [], scalar_prefetch = 0 : i64, scratch_operands = 0 : i64, tpu.core_type = #tpu.core_type<tc>} {
    %get3A = arith.constant 0 : index
    %get3A_0 = arith.constant 0 : index
    %get3A_1 = arith.constant 0 : index
    %get3A_2 = vector.load %arg0[%get3A, %get3A_0, %get3A_1] : memref<2x10112x128xf32, #tpu.memory_space<vmem>>, vector<1x10112x128xf32>
    %get3A_3 = vector.shape_cast %get3A_2 : vector<1x10112x128xf32> to vector<10112x128xf32>
    %get3A_4 = arith.constant 1 : index
    %get3A_5 = arith.constant 0 : index
    %get3A_6 = arith.constant 0 : index
    %get3A_7 = vector.load %arg0[%get3A_4, %get3A_5, %get3A_6] : memref<2x10112x128xf32, #tpu.memory_space<vmem>>, vector<1x10112x128xf32>
    %get3A_8 = vector.shape_cast %get3A_7 : vector<1x10112x128xf32> to vector<10112x128xf32>
    %add3A = arith.addf %get3A_3, %get3A_8 : vector<10112x128xf32>
    %slice3A = vector.extract_strided_slice %add3A {offsets = [0, 0], sizes = [10000, 128], strides = [1, 1]} : vector<10112x128xf32> to vector<10000x128xf32>
    %get3A_9 = arith.constant 0 : index
    %get3A_10 = arith.constant 0 : index
    %get3A_11 = vector.load %arg1[%get3A_9, %get3A_10] : memref<10000x128xf32, #tpu.memory_space<vmem>>, vector<10000x128xf32>
    %add3A_12 = arith.addf %slice3A, %get3A_11 : vector<10000x128xf32>
    %get3A_13 = arith.constant 0 : index
    %get3A_14 = arith.constant 0 : index
    %get3A_15 = vector.load %arg2[%get3A_13, %get3A_14] : memref<10000x1xf32, #tpu.memory_space<vmem>>, vector<10000x1xf32>
    %mul3A = vector.broadcast %get3A_15 : vector<10000x1xf32> to vector<10000x128xf32>
    %mul3A_16 = arith.mulf %mul3A, %add3A_12 : vector<10000x128xf32>
    %get3A_17 = arith.constant 0 : index
    %get3A_18 = arith.constant 0 : index
    %get3A_19 = vector.load %arg3[%get3A_17, %get3A_18] : memref<1x128xf32, #tpu.memory_space<vmem>>, vector<1x128xf32>
    %add3A_20 = vector.broadcast %get3A_19 : vector<1x128xf32> to vector<10000x128xf32>
    %add3A_21 = arith.addf %mul3A_16, %add3A_20 : vector<10000x128xf32>
    %max3A = arith.constant 0.000000e+00 : f32
    %max3A_22 = vector.broadcast %max3A : f32 to vector<10000x128xf32>
    %max3A_23 = arith.maximumf %add3A_21, %max3A_22 : vector<10000x128xf32>
    %get3A_24 = arith.constant 0 : index
    %get3A_25 = arith.constant 0 : index
    %get3A_26 = vector.load %arg2[%get3A_24, %get3A_25] : memref<10000x1xf32, #tpu.memory_space<vmem>>, vector<10000x1xf32>
    %get3A_27 = arith.constant 0 : index
    %get3A_28 = arith.constant 0 : index
    %get3A_29 = vector.load %arg4[%get3A_27, %get3A_28] : memref<128x128xf32, #tpu.memory_space<vmem>>, vector<128x128xf32>
    %dot_general3A = arith.constant dense<0.000000e+00> : vector<10000x128xf32>
    %dot_general3A_30 = tpu.matmul %max3A_23, %get3A_29, %dot_general3A {dimension_numbers = #tpu.dot_dimension_numbers<[1], [0], [0], [1], [0, 0, 1, 1], [], []>, transpose_lhs_hint = false} : vector<10000x128xf32>, vector<128x128xf32>, vector<10000x128xf32> -> vector<10000x128xf32>
    %mul3A_31 = vector.broadcast %get3A_26 : vector<10000x1xf32> to vector<10000x128xf32>
    %mul3A_32 = arith.mulf %mul3A_31, %dot_general3A_30 : vector<10000x128xf32>
    %swap3A = arith.constant 0 : index
    %swap3A_33 = arith.constant 0 : index
    %swap3A_34 = vector.load %arg5[%swap3A, %swap3A_33] : memref<10000x128xf32, #tpu.memory_space<vmem>>, vector<10000x128xf32>
    tpu.vector_store %arg5[%swap3A, %swap3A_33], %mul3A_32 {strides = array<i32>} : memref<10000x128xf32, #tpu.memory_space<vmem>>, vector<10000x128xf32>,
    return
  }
}

module attributes {stable_mosaic.version = 14 : i64} {
  func.func @body(%arg0: memref<2x10112x128xf32, #tpu.memory_space<vmem>>, %arg1: memref<10000x128xf32, #tpu.memory_space<vmem>>, %arg2: memref<10000x1xf32, #tpu.memory_space<vmem>>, %arg3: memref<1x128xf32, #tpu.memory_space<vmem>>, %arg4: memref<128x2xf32, #tpu.memory_space<vmem>>, %arg5: memref<1x2xf32, #tpu.memory_space<vmem>>, %arg6: memref<10000x1xi32, #tpu.memory_space<vmem>>, %arg7: memref<64x2xf32, #tpu.memory_space<vmem>>) attributes {dimension_semantics = [], scalar_prefetch = 0 : i64, scratch_operands = 0 : i64, tpu.core_type = #tpu.core_type<tc>} {
    %get3A = arith.constant 0 : index
    %get3A_0 = arith.constant 0 : index
    %get3A_1 = arith.constant 0 : index
    %get3A_2 = vector.load %arg0[%get3A, %get3A_0, %get3A_1] : memref<2x10112x128xf32, #tpu.memory_space<vmem>>, vector<1x10112x128xf32>
    %get3A_3 = vector.shape_cast %get3A_2 : vector<1x10112x128xf32> to vector<10112x128xf32>
    %get3A_4 = arith.constant 1 : index
    %get3A_5 = arith.constant 0 : index
    %get3A_6 = arith.constant 0 : index
    %get3A_7 = vector.load %arg0[%get3A_4, %get3A_5, %get3A_6] : memref<2x10112x128xf32, #tpu.memory_space<vmem>>, vector<1x10112x128xf32>
    %get3A_8 = vector.shape_cast %get3A_7 : vector<1x10112x128xf32> to vector<10112x128xf32>
    %add3A = arith.addf %get3A_3, %get3A_8 : vector<10112x128xf32>
    %slice3A = vector.extract_strided_slice %add3A {offsets = [0, 0], sizes = [10000, 128], strides = [1, 1]} : vector<10112x128xf32> to vector<10000x128xf32>
    %get3A_9 = arith.constant 0 : index
    %get3A_10 = arith.constant 0 : index
    %get3A_11 = vector.load %arg1[%get3A_9, %get3A_10] : memref<10000x128xf32, #tpu.memory_space<vmem>>, vector<10000x128xf32>
    %add3A_12 = arith.addf %slice3A, %get3A_11 : vector<10000x128xf32>
    %get3A_13 = arith.constant 0 : index
    %get3A_14 = arith.constant 0 : index
    %get3A_15 = vector.load %arg2[%get3A_13, %get3A_14] : memref<10000x1xf32, #tpu.memory_space<vmem>>, vector<10000x1xf32>
    %mul3A = vector.broadcast %get3A_15 : vector<10000x1xf32> to vector<10000x128xf32>
    %mul3A_16 = arith.mulf %mul3A, %add3A_12 : vector<10000x128xf32>
    %get3A_17 = arith.constant 0 : index
    %get3A_18 = arith.constant 0 : index
    %get3A_19 = vector.load %arg3[%get3A_17, %get3A_18] : memref<1x128xf32, #tpu.memory_space<vmem>>, vector<1x128xf32>
    %add3A_20 = vector.broadcast %get3A_19 : vector<1x128xf32> to vector<10000x128xf32>
    %add3A_21 = arith.addf %mul3A_16, %add3A_20 : vector<10000x128xf32>
    %max3A = arith.constant 0.000000e+00 : f32
    %max3A_22 = vector.broadcast %max3A : f32 to vector<10000x128xf32>
    %max3A_23 = arith.maximumf %add3A_21, %max3A_22 : vector<10000x128xf32>
    %iota3A = tpu.iota {dimensions = array<i32: 1>} : vector<1x64xi32>
    %get3A_24 = arith.constant 0 : index
    %get3A_25 = arith.constant 0 : index
    %get3A_26 = vector.load %arg6[%get3A_24, %get3A_25] : memref<10000x1xi32, #tpu.memory_space<vmem>>, vector<10000x1xi32>
    %eq3A = vector.broadcast %get3A_26 : vector<10000x1xi32> to vector<10000x64xi32>
    %eq3A_27 = vector.broadcast %iota3A : vector<1x64xi32> to vector<10000x64xi32>
    %eq3A_28 = arith.cmpi eq, %eq3A, %eq3A_27 : vector<10000x64xi32>
    %convert_element_type3A = arith.extui %eq3A_28 : vector<10000x64xi1> to vector<10000x64xi32>
    %convert_element_type3A_29 = arith.sitofp %convert_element_type3A : vector<10000x64xi32> to vector<10000x64xf32>
    %dot_general3A = arith.constant dense<0.000000e+00> : vector<64x128xf32>
    %dot_general3A_30 = tpu.matmul %convert_element_type3A_29, %max3A_23, %dot_general3A {dimension_numbers = #tpu.dot_dimension_numbers<[0], [0], [1], [1], [0, 1, 1, 1], [], []>, precision = #tpu.contract_precision<fp32>, transpose_lhs_hint = false} : vector<10000x64xf32>, vector<10000x128xf32>, vector<64x128xf32> -> vector<64x128xf32>
    %reduce_sum3A = arith.constant dense<0.000000e+00> : vector<64xf32>
    %reduce_sum3A_31 = vector.multi_reduction <add>, %convert_element_type3A_29, %reduce_sum3A [0] : vector<10000x64xf32> to vector<64xf32>
    %broadcast_in_dim3A = vector.shape_cast %reduce_sum3A_31 : vector<64xf32> to vector<64x1xf32>
    %max3A_32 = arith.constant 1.000000e+00 : f32
    %max3A_33 = vector.broadcast %max3A_32 : f32 to vector<64x1xf32>
    %max3A_34 = arith.maximumf %broadcast_in_dim3A, %max3A_33 : vector<64x1xf32>
    %div3A = vector.broadcast %max3A_34 : vector<64x1xf32> to vector<64x128xf32>
    %div3A_35 = arith.divf %dot_general3A_30, %div3A : vector<64x128xf32>
    %get3A_36 = arith.constant 0 : index
    %get3A_37 = arith.constant 0 : index
    %get3A_38 = vector.load %arg4[%get3A_36, %get3A_37] : memref<128x2xf32, #tpu.memory_space<vmem>>, vector<128x2xf32>
    %dot_general3A_39 = arith.constant dense<0.000000e+00> : vector<64x2xf32>
    %dot_general3A_40 = tpu.matmul %div3A_35, %get3A_38, %dot_general3A_39 {dimension_numbers = #tpu.dot_dimension_numbers<[1], [0], [0], [1], [0, 0, 1, 1], [], []>, transpose_lhs_hint = false} : vector<64x128xf32>, vector<128x2xf32>, vector<64x2xf32> -> vector<64x2xf32>
    %get3A_41 = arith.constant 0 : index
    %get3A_42 = arith.constant 0 : index
    %get3A_43 = vector.load %arg5[%get3A_41, %get3A_42] : memref<1x2xf32, #tpu.memory_space<vmem>>, vector<1x2xf32>
    %add3A_44 = vector.broadcast %get3A_43 : vector<1x2xf32> to vector<64x2xf32>
    %add3A_45 = arith.addf %dot_general3A_40, %add3A_44 : vector<64x2xf32>
    %swap3A = arith.constant 0 : index
    %swap3A_46 = arith.constant 0 : index
    %swap3A_47 = vector.load %arg7[%swap3A, %swap3A_46] : memref<64x2xf32, #tpu.memory_space<vmem>>, vector<64x2xf32>
    tpu.vector_store %arg7[%swap3A, %swap3A_46], %add3A_45 {strides = array<i32>} : memref<64x2xf32, #tpu.memory_space<vmem>>, vector<64x2xf32>,
    return
  }
}

</mosaic_0001>

<sc_bundles>
// kernel: kernel.10.cloned.1.call-start
scs
__scs_entry_jumppad:
0x0: {  	(pc) =	sbr.rel $0x88, $3  }
0x1: {  	(tag) =	ssettag $0x0;
	lr =	simm.s32 $0x1  }
0x2: {  	[smem:$0x3F96] =	sst lr;
	_ =	strace $0xD0000000  }
0x3: {  	_ = 	snop  }
0x4: {  	_ = 	snop  }
0x5: {  	_ = 	snop  }
0x6: {  	_ = 	snop  }
0x7: {  	_ = 	snop  }
__scs_overlays_trampoline_lowered:
0x8: {  	[smem:$0x3FA5] =	sst s0  }
0x9: {  	[smem:$0x3FA6] =	sst s1  }
0xa: {  	[smem:$0x3FA7] =	sst s2  }
0xb: {  	[smem:$0x3FA8] =	sst s3  }
0xc: {  	[smem:$0x3FA9] =	sst s4  }
0xd: {  	[smem:$0x3FAA] =	sst s5  }
0xe: {  	[smem:$0x3FAB] =	sst s6  }
0xf: {  	[smem:$0x3FAC] =	sst s7  }
0x10: {  	[smem:$0x3FAD] =	sst s8  }
0x11: {  	[smem:$0x3FAE] =	sst s9;
	s0 =	simm.s32 @!p0 $0x0  }
0x12: {  	s1 =	sld [smem:$0x3F94];
	s0 =	simm.s32 @p0 $0x1  }
0x13: {  	[smem:$0x3FAF] =	sst s0;
	s0 =	simm.s32 @!p1 $0x0  }
0x14: {  	s2 =	sld [smem:$0x3F93];
	s0 =	simm.s32 @p1 $0x1  }
0x15: {  	[smem:$0x3FB0] =	sst s0;
	s0 =	simm.s32 @!p2 $0x0  }
0x16: {  	s3 =	sld [smem:$0x3FDB];
	s0 =	simm.s32 @p2 $0x1  }
0x17: {  	s4 =	simm.s32 $0x1BF5;
	[smem:$0x3FB2] =	sst s0  }
0x18: {  	s0 =	sld [smem:$0x3F95];
	_ =	swait.ge [sflag:s4], $0x0  }
0x19: {  	s7 =	sld [smem:$0x3F96]  }
0x1a: {  	s8 =	sadd.s32 $0xFFFFE003, lr  }
0x1b: {  	s9 =	sadd.s32 $0xFFFFFEF7, lr;
	s5 =	simm.s32 $0xFFFFFFFF;
	p2 =	slt.u32 s8, $0xFFFFF086  }
0x1c: {  	p1 =	slt.u32 s9, $0xF7A;
	s5 =	simm.s32 @!p2 $0x0  }
0x1d: {  	s5 =	simm.s32 @p1 $0x1;
	p0 =	seq.s32 s7, s2  }
0x1e: {  	s7 =	smul.u32 @!p0 $0xF7A, s2;
	p2 =	seq.s32 @!p0 s5, $0x0  }
0x1f: {  	s9 =	smul.u32 $0xF7A, s1;
	s8 =	simm.s32 @!p0 $0x1BF5;
	p2 =	por !p2, p0  }
0x20: {  	[sflag:s8] =	ssyncset.s32 @!p0 $0xFFFFF086;
	s6 =	sadd.s32 @!p0 s3, s7;
	s7 =	simm.s32 @!p0 $0x108  }
0x21: {  	s3 =	sadd.s32 s3, s9;
	s6 =	sadd.s32 @!p0 $0x88, s6;
	s7 =	simm.s32 @p2 $0x1082  }
0x22: {  	[simem:s7], [sflag:s8] =	dma.local @!p0 [hbm:s6], $0xF7A  }
0x23: {  	s9 =	sor.u32 $0xD0000000, s2;
	s6 =	simm.s32 $0x108;
	_ =	swait.ge @!p0 [sflag:s8], $0x0  }
0x24: {  	s3 =	sadd.s32 $0x88, s3;
	s6 =	simm.s32 @!p1 $0x1082;
	[sflag:s4] =	ssyncset.s32 $0xFFFFF086  }
0x25: {  	[simem:s6], [sflag:s4] =	dma.local [hbm:s3], $0xF7A  }
0x26: {  	[smem:$0x3F96] =	sst s1;
	(tag) =	ssettag s2;
	_ =	strace s9  }
0x27: {  	s1 =	sld [smem:$0x3FA6]  }
0x28: {  	s2 =	sld [smem:$0x3FA7]  }
0x29: {  	s4 =	sld [smem:$0x3FA9]  }
0x2a: {  	p0 =	seq.s32 s5, $0x0;
	s5 =	sld [smem:$0x3FAA]  }
0x2b: {  	s6 =	sld [smem:$0x3FAB]  }
0x2c: {  	s7 =	sld [smem:$0x3FAC]  }
0x2d: {  	s3 =	simm.s32 $0x108;
	s8 =	sld [smem:$0x3FAD]  }
0x2e: {  	s3 =	simm.s32 @!p0 $0x1082;
	s9 =	sld [smem:$0x3FAE]  }
0x2f: {  	lr =	sadd.s32 s0, s3;
	s0 =	sld [smem:$0x3FA5]  }
0x30: {  	s3 =	sld [smem:$0x3FA8]  }
0x31: {  	[smem:$0x3FB1] =	sst s10  }
0x32: {  	s10 =	sld [smem:$0x3FAF];
	_ =	sdelay $0x3  }
0x33: {  	p0 =	seq.s32 s10, $0x1;
	s10 =	sld [smem:$0x3FB1];
	_ =	sdelay $0x3  }
0x34: {  	[smem:$0x3FB1] =	sst s10  }
0x35: {  	s10 =	sld [smem:$0x3FB0];
	_ =	sdelay $0x3  }
0x36: {  	p1 =	seq.s32 s10, $0x1;
	s10 =	sld [smem:$0x3FB1];
	_ =	sdelay $0x3  }
0x37: {  	[smem:$0x3FB1] =	sst s10  }
0x38: {  	s10 =	sld [smem:$0x3FB2]  }
0x39: {  	_ = 	snop;
	(pc) =	sbr.ind lr, $3  }
0x3a: {  	_ = 	snop  }
0x3b: {  	_ = 	snop  }
0x3c: {  	p2 =	seq.s32 s10, $0x1;
	s10 =	sld [smem:$0x3FB1]  }
0x3d: {  	_ =	shalt  }
0x3e: {  	_ =	shalt  }
0x3f: {  	_ =	shalt  }
0x40: {  	_ =	shalt  }
0x41: {  	_ =	shalt  }
0x42: {  	_ =	shalt  }
0x43: {  	_ =	shalt  }
0x44: {  	_ =	shalt  }
0x45: {  	_ =	shalt  }
0x46: {  	_ =	shalt  }
0x47: {  	_ =	shalt  }
0x48: {  	_ =	shalt  }
0x49: {  	_ =	shalt  }
0x4a: {  	_ =	shalt  }
0x4b: {  	_ =	shalt  }
0x4c: {  	_ =	shalt  }
0x4d: {  	_ =	shalt  }
0x4e: {  	_ =	shalt  }
0x4f: {  	_ =	shalt  }
0x50: {  	_ =	shalt  }
0x51: {  	_ =	shalt  }
0x52: {  	_ =	shalt  }
0x53: {  	_ =	shalt  }
0x54: {  	_ =	shalt  }
0x55: {  	_ =	shalt  }
0x56: {  	_ =	shalt  }
0x57: {  	_ =	shalt  }
0x58: {  	_ =	shalt  }
0x59: {  	_ =	shalt  }
0x5a: {  	_ =	shalt  }
0x5b: {  	_ =	shalt  }
0x5c: {  	_ =	shalt  }
0x5d: {  	_ =	shalt  }
0x5e: {  	_ =	shalt  }
0x5f: {  	_ =	shalt  }
0x60: {  	_ =	shalt  }
0x61: {  	_ =	shalt  }
0x62: {  	_ =	shalt  }
0x63: {  	_ =	shalt  }
0x64: {  	_ =	shalt  }
0x65: {  	_ =	shalt  }
0x66: {  	_ =	shalt  }
0x67: {  	_ =	shalt  }
0x68: {  	_ =	shalt  }
0x69: {  	_ =	shalt  }
0x6a: {  	_ =	shalt  }
0x6b: {  	_ =	shalt  }
0x6c: {  	_ =	shalt  }
0x6d: {  	_ =	shalt  }
0x6e: {  	_ =	shalt  }
0x6f: {  	_ =	shalt  }
0x70: {  	_ =	shalt  }
0x71: {  	_ =	shalt  }
0x72: {  	_ =	shalt  }
0x73: {  	_ =	shalt  }
0x74: {  	_ =	shalt  }
0x75: {  	_ =	shalt  }
0x76: {  	_ =	shalt  }
0x77: {  	_ =	shalt  }
0x78: {  	_ =	shalt  }
0x79: {  	_ =	shalt  }
0x7a: {  	_ =	shalt  }
0x7b: {  	_ =	shalt  }
0x7c: {  	_ =	shalt  }
0x7d: {  	_ =	shalt  }
0x7e: {  	_ =	shalt  }
0x7f: {  	_ =	shalt  }
0x80: {  	_ =	shalt  }
0x81: {  	_ =	shalt  }
0x82: {  	_ =	shalt  }
0x83: {  	_ =	shalt  }
0x84: {  	_ =	shalt  }
0x85: {  	_ =	shalt  }
0x86: {  	_ =	shalt  }
0x87: {  	_ =	shalt  }
.Lfunc_end0:
.L_simem_size_0:
called_computation_lowered:
.L_overlay_start_0:
0x88: {  	s2 =	sld [smem:$0x3FD9]  }
0x89: {  	s3 =	sld [smem:$0x3FFE];
	_ =	sdelay $0x1  }
0x8a: {  	s1 =	srdreg.scid  }
0x8b: {  	s0 =	sand.u32 $0x1, s1  }
0x8c: {  	s16 =	sshll.u32 s0, $0xA;
	s2 =	sadd.s32 s3, s2  }
0x8d: {  	s2 =	sadd.s32 s2, s16  }
0x8e: {  	[smem:$0x3FBD] =	sst s2  }
0x8f: {  	_ = 	snop  }
0x90: {  	(tm) =	ssettm $0x1  }
0x91: {  	s17 =	sld [smem:$0x3FFB];
	_ =	sdelay $0x3  }
0x92: {  	_ =	strace s17  }
0x93: {  	s2 =	sld [smem:$0x3FFC];
	_ =	sdelay $0x3  }
0x94: {  	_ =	strace s2  }
0x95: {  	s2 =	sld [smem:$0x3FFD];
	_ =	sdelay $0x3  }
0x96: {  	_ =	strace s2  }
0x97: {  	_ =	strace $0x8FFFFFFF  }
0x98: {  	s18 =	sld [smem:$0x3FDB];
	_ =	sdelay $0x1  }
0x99: {  	s19 =	simm.s32 $_scs_section_size  }
0x9a: {  	s4 =	simm.s32 $_size__tile_overlayer_lowered;
	s5 =	simm.s32 $_tile_overlayer_lowered  }
0x9b: {  	s22 =	simm.s32 $0x1BFF;
	s21 =	sshll.u32 s5, $0x1;
	s2 =	sadd.s32 s19, s18  }
0x9c: {  	s6 =	simm.s32 $0x0;
	s20 =	sshll.u32 s4, $0x1;
	s4 =	sadd.s32 s21, s2  }
0x9d: {  	[timem:s6], [sflag:s22] =	dma.local [hbm:s4], s20  }
0x9e: {  	_ =	swait.ge [sflag:s22], s20  }
0x9f: {  	s3 =	ssub.s32 $0x0, s20;
	[sflag:s22] =	ssyncset.done $0x0  }
0xa0: {  	[sflag:s22] =	ssyncadd.s32 s3;
	_ =	sdelay $0x1  }
0xa1: {  	s23 =	simm.s32 $0x1B8B  }
0xa2: {  	_ =	swait.ge [sflag:s23], $0x1  }
0xa3: {  	[sflag:s23] =	ssyncset.done $0x0  }
0xa4: {  	s25 =	simm.s32 $0x1B8E;
	s24 =	sld [smem:$0x3FFE];
	[sflag:s23] =	ssyncadd.s32 $0xFFFFFFFF  }
0xa5: {  	s26 =	simm.s32 $execute0_lowered;
	[smem:$0x3FD2] =	sst s25  }
0xa6: {  	s4 =	sshll.u32 s26, $0x1;
	_ =	strace $0x80000046;
	[dreg:$0x1] =	wrdreg $0xFFFFFFFF  }
0xa7: {  	s28 =	simm.s32 $_size_execute0_lowered;
	s2 =	sadd.s32 s2, s4;
	[dreg:$0x0] =	wrdreg $0x0  }
0xa8: {  	s4 =	sshll.u32 s28, $0x1;
	[dreg:$0x2] =	wrdreg s2  }
0xa9: {  	[dreg:$0x3] =	wrdreg s4  }
0xaa: {  	[dreg:$0x4] =	wrdreg $0xC0  }
0xab: {  	_ =	task [dreg:s6], $0x5FFFF  }
0xac: {  	[dreg:$0x1] =	wrdreg $0xFFFFFFFF  }
0xad: {  	[dreg:$0x0] =	wrdreg $0x60  }
0xae: {  	[dreg:$0x2] =	wrdreg s24  }
0xaf: {  	[dreg:$0x3] =	wrdreg $0x2BE80  }
0xb0: {  	[dreg:$0x4] =	wrdreg $0x9  }
0xb1: {  	_ =	task.clear_ibuf [dreg:s6], $0x5FFFF;
	_ =	strace $0x90000046  }
0xb2: {  	s29 =	simm.s32 $0x9;
	_ =	strace $0x80000048  }
0xb3: {  	_ =	swait.ge [sflag:s29], $0x1  }
0xb4: {  	[sflag:s29] =	ssyncadd.s32 $0xFFFFFFFF  }
0xb5: {  	_ =	strace $0x90000048  }
0xb6: {  	_ =	sfence  }
0xb7: {  	s30 =	sld [smem:$0x0];
	_ =	sdelay $0x2  }
0xb8: {  	s31 =	sshll.u32 s1, $0xD;
	s1 =	sshrl.u32 s1, $0x2  }
0xb9: {  	s3 =	sand.u32 $0x4000, s31;
	s1 =	sadd.s32 s1, s30  }
0xba: {  	s0 =	sor.u32 s3, s0;
	s1 =	sshll.u32 s1, $0x11  }
0xbb: {  	s0 =	sor.u32 s1, s0  }
0xbc: {  	s0 =	sadd.s32 $0x8F2B, s0  }
0xbd: {  	[sflag:s0] =	ssyncadd.remote.s32 $0x1  }
0xbe: {  	_ =	sfence.sel $0xFFFF  }
0xbf: {  	[dreg:$0x0] =	wrdreg $0xFFFFFFFF;
	(pc) =	sbr.abs _section_cstart, $3  }
0xc0: {  	[dreg:$0x1] =	wrdreg $0xFFFFFFFF  }
0xc1: {  	_ =	task.clear_ibuf [dreg:s6], $0x2FFFF;
	_ =	strace $0x9FFFFFFF  }
0xc2: {  	(tm) =	ssettm $0x7FFFFFFF  }
0xc3: {  	_ =	shalt  }
tec
execute0_lowered:
.L_overlay_start_1:
0x0: {  	(tag) =	ssettag $0x1  }
0x1: {  	s6 =	rddreg [dreg:$0x0]  }
0x2: {  	s2 =	rddreg [dreg:$0x1]  }
0x3: {  	s0 =	rddreg [dreg:$0x2];
	s3 =	srdreg.scid  }
0x4: {  	s1 =	stileid.u32;
	s13 =	simm.s32 $0x7D;
	s14 =	simm.s32 $0x0  }
0x5: {  	s5 =	sand.u32 $0x1, s3;
	s4 =	sshll.u32 s1, $0x1;
	s7 =	smul.u32 $0x13C0, s1  }
0x6: {  	s3 =	simm.s32 $0x0;
	s11 =	sshll.u32 s1, $0x6;
	s4 =	sor.u32 s5, s4  }
0x7: {  	s8 =	smul.u32 $0x13C00, s5;
	[smem:$0x7FF] =	sst s3;
	s10 =	ssub.s32 $0x2, s5  }
0x8: {  	s5 =	sadd.s32 $0x17200, s6;
	s11 =	sor.u32 $0x1C01, s11;
	s9 =	smul.u32 $0x500, s4  }
0x9: {  	_ =	strace $0x80000047;
	s4 =	sadd.s32 $0x17600, s6;
	s31 =	sshrl.u32 s10, $0x1  }
0xa: {  	s12 =	sadd.s32 s7, s2;
	s8 =	sadd.s32 s7, s8;
	s10 =	ssub.s32 s10, s31  }
0xb: {  	s12 =	sshrl.u32 s12, $0x3;
	s9 =	sadd.s32 s9, s6;
	s8 =	sshrl.u32 s8, $0x3  }
0xc: {  	s8 =	sadd.s32 s8, s6;
	s6 =	sadd.s32 $0xD200, s9;
	s9 =	simm.s32 $0x1  }
0xd: {  	s7 =	sadd.s32 $0x17800, s8;
	s8 =	smax.u32 s10, $0x1;
	s10 =	simm.s32 $0x2800  }
.LBB2_1:
0xe: {  	[tilespmem:s3], [sflag:$0x1] =	stream.linear.gather [hbm4b:s6+s3], $0x2800, $0x38;
	[tilespmem:$0x3FA8] =	vst v63  }
0xf: {  	_ =	swait.ge [sflag:s9], $0x2800  }
0x10: {  	[sflag:s9] =	ssyncset.done $0x0  }
0x11: {  	[sflag:s9] =	ssyncadd.s32 $0xFFFFD800  }
0x12: {  	[tilespmem:s10], [sflag:$0x1] =	stream.linear.gather [hbm4b:s4+s3], $0x3E8, $0x38;
	[tilespmem:$0x3FA8] =	vst v63  }
0x13: {  	_ =	swait.ge [sflag:s9], $0x3E8  }
0x14: {  	[sflag:s9] =	ssyncset.done $0x0  }
0x15: {  	[sflag:s9] =	ssyncadd.s32 $0xFFFFFC18  }
0x16: {  	[spmem:s12], [sflag:s11] =	dma.local [hbm:s5], $0x278  }
0x17: {  	_ =	swait.ge [sflag:s9], $0x278  }
0x18: {  	[sflag:s9] =	ssyncset.done $0x0  }
0x19: {  	[sflag:s9] =	ssyncadd.s32 $0xFFFFFD88  }
0x1a: {  	s15 =	simm.s32 $0x0;
	[bflag:$0x0] =	sbarrier.arrive $0xFFFF  }
0x1b: {  	[spmem:s2] =	stream.indirect.scatter.add.f32 [tilespmem:s10], [sflag:$0x1], $0x8, s15, s13, $0xb8;
	[tilespmem:$0x3FA8] =	vst v63  }
0x1c: {  	_ =	swait.ge [sflag:s9], $0x3E8  }
0x1d: {  	s15 =	simm.s32 $0x200;
	[sflag:s9] =	ssyncset.done $0x0  }
.LBB2_2:
0x1e: {  	s16 =	sshra.s32 s15, $0x2;
	[sflag:s9] =	ssyncadd.s32 $0xFFFFFC18;
	p0 =	sne.s32 s15, $0x9E00  }
0x1f: {  	[spmem:s2] =	stream.indirect.scatter.add.f32 [tilespmem:s10], [sflag:$0x1], $0x8, s16, s13, $0xb8;
	[tilespmem:$0x3FA8] =	vst v63  }
.Ltmp0:
0x20: {  	_ = 	snop;
	(pc) =	sbr.rel @p0 .LBB2_2-.Ltmp0, $4  }
0x21: {  	_ = 	snop  }
0x22: {  	s15 =	sadd.s32 $0x200, s15  }
0x23: {  	_ =	swait.ge [sflag:s9], $0x3E8  }
0x24: {  	[sflag:s9] =	ssyncset.done $0x0  }
0x25: {  	s14 =	sadd.s32 $0x1, s14  }
0x26: {  	[sflag:s9] =	ssyncadd.s32 $0xFFFFFC18;
	p0 =	sne.s32 s14, s8  }
.Ltmp1:
0x27: {  	[bflag:$0x0] =	sbarrier.arrive $0xFFFF;
	(pc) =	sbr.rel @p0 .LBB2_1-.Ltmp1, $4  }
0x28: {  	[hbm:s7], [sflag:s11] =	dma.local [spmem:s12], $0x278  }
0x29: {  	_ =	swait.ge [sflag:s9], $0x278  }
0x2a: {  	[sflag:s9] =	ssyncset.done $0x0  }
0x2b: {  	[sflag:s9] =	ssyncadd.s32 $0xFFFFFD88  }
0x2c: {  	_ =	sfence.sel $0x180000  }
0x2d: {  	[bflag:$0x0] =	sbarrier.arrive $0xFFFF  }
0x2e: {  	p0 =	sne.s32 s1, $0x0;
	_ =	strace $0x90000047  }
0x2f: {  	s0 =	sadd.s32 @!p0 $0x100000, s0;
	[bflag:$0x2] =	sbarrier.arrive $0xFFFF  }
0x30: {  	[sflag:s0] =	ssyncadd.tile.s32 @!p0 $0x1;
	_ =	shalt  }
.Lfunc_end2:
_tile_overlayer_lowered:
.L_overlay_start_2:
0x31: {  	(tag) =	ssettag $0x2  }
0x32: {  	s0 =	rddreg [dreg:$0x0];
	s2 =	stileid.u32  }
0x33: {  	s1 =	rddreg [dreg:$0x1];
	p0 =	sne.s32 s2, $0x0  }
0x34: {  	s3 =	rddreg [dreg:$0x2];
	[bflag:$0x3] =	sbarrier.arrive $0xFFFF;
	s2 =	simm.s32 @!p0 $0x1C01  }
0x35: {  	[timem:s3], [sflag:s2] =	dma.local @!p0 [hbm:s0], s1  }
0x36: {  	s0 =	simm.s32 @!p0 $0x1  }
0x37: {  	_ =	swait.ge @!p0 [sflag:s0], s1  }
0x38: {  	s1 =	ssub.s32 @!p0 $0x0, s1;
	[sflag:s0] =	ssyncset.done @!p0 $0x0  }
0x39: {  	[sflag:s0] =	ssyncadd.s32 @!p0 s1  }
0x3a: {  	[bflag:$0x3] =	sbarrier.arrive $0xFFFF  }
0x3b: {  	_ =	shalt  }

// kernel: kernel.13.cloned.1.call-start
scs
__scs_entry_jumppad:
0x0: {  	(pc) =	sbr.rel $0x88, $3  }
0x1: {  	(tag) =	ssettag $0x0;
	lr =	simm.s32 $0x1  }
0x2: {  	[smem:$0x3F96] =	sst lr;
	_ =	strace $0xD0000000  }
0x3: {  	_ = 	snop  }
0x4: {  	_ = 	snop  }
0x5: {  	_ = 	snop  }
0x6: {  	_ = 	snop  }
0x7: {  	_ = 	snop  }
__scs_overlays_trampoline_lowered:
0x8: {  	[smem:$0x3FA5] =	sst s0  }
0x9: {  	[smem:$0x3FA6] =	sst s1  }
0xa: {  	[smem:$0x3FA7] =	sst s2  }
0xb: {  	[smem:$0x3FA8] =	sst s3  }
0xc: {  	[smem:$0x3FA9] =	sst s4  }
0xd: {  	[smem:$0x3FAA] =	sst s5  }
0xe: {  	[smem:$0x3FAB] =	sst s6  }
0xf: {  	[smem:$0x3FAC] =	sst s7  }
0x10: {  	[smem:$0x3FAD] =	sst s8  }
0x11: {  	[smem:$0x3FAE] =	sst s9;
	s0 =	simm.s32 @!p0 $0x0  }
0x12: {  	s1 =	sld [smem:$0x3F94];
	s0 =	simm.s32 @p0 $0x1  }
0x13: {  	[smem:$0x3FAF] =	sst s0;
	s0 =	simm.s32 @!p1 $0x0  }
0x14: {  	s2 =	sld [smem:$0x3F93];
	s0 =	simm.s32 @p1 $0x1  }
0x15: {  	[smem:$0x3FB0] =	sst s0;
	s0 =	simm.s32 @!p2 $0x0  }
0x16: {  	s3 =	sld [smem:$0x3FDB];
	s0 =	simm.s32 @p2 $0x1  }
0x17: {  	s4 =	simm.s32 $0x1BF5;
	[smem:$0x3FB2] =	sst s0  }
0x18: {  	s0 =	sld [smem:$0x3F95];
	_ =	swait.ge [sflag:s4], $0x0  }
0x19: {  	s7 =	sld [smem:$0x3F96]  }
0x1a: {  	s8 =	sadd.s32 $0xFFFFE003, lr  }
0x1b: {  	s9 =	sadd.s32 $0xFFFFFEF7, lr;
	s5 =	simm.s32 $0xFFFFFFFF;
	p2 =	slt.u32 s8, $0xFFFFF086  }
0x1c: {  	p1 =	slt.u32 s9, $0xF7A;
	s5 =	simm.s32 @!p2 $0x0  }
0x1d: {  	s5 =	simm.s32 @p1 $0x1;
	p0 =	seq.s32 s7, s2  }
0x1e: {  	s7 =	smul.u32 @!p0 $0xF7A, s2;
	p2 =	seq.s32 @!p0 s5, $0x0  }
0x1f: {  	s9 =	smul.u32 $0xF7A, s1;
	s8 =	simm.s32 @!p0 $0x1BF5;
	p2 =	por !p2, p0  }
0x20: {  	[sflag:s8] =	ssyncset.s32 @!p0 $0xFFFFF086;
	s6 =	sadd.s32 @!p0 s3, s7;
	s7 =	simm.s32 @!p0 $0x108  }
0x21: {  	s3 =	sadd.s32 s3, s9;
	s6 =	sadd.s32 @!p0 $0x88, s6;
	s7 =	simm.s32 @p2 $0x1082  }
0x22: {  	[simem:s7], [sflag:s8] =	dma.local @!p0 [hbm:s6], $0xF7A  }
0x23: {  	s9 =	sor.u32 $0xD0000000, s2;
	s6 =	simm.s32 $0x108;
	_ =	swait.ge @!p0 [sflag:s8], $0x0  }
0x24: {  	s3 =	sadd.s32 $0x88, s3;
	s6 =	simm.s32 @!p1 $0x1082;
	[sflag:s4] =	ssyncset.s32 $0xFFFFF086  }
0x25: {  	[simem:s6], [sflag:s4] =	dma.local [hbm:s3], $0xF7A  }
0x26: {  	[smem:$0x3F96] =	sst s1;
	(tag) =	ssettag s2;
	_ =	strace s9  }
0x27: {  	s1 =	sld [smem:$0x3FA6]  }
0x28: {  	s2 =	sld [smem:$0x3FA7]  }
0x29: {  	s4 =	sld [smem:$0x3FA9]  }
0x2a: {  	p0 =	seq.s32 s5, $0x0;
	s5 =	sld [smem:$0x3FAA]  }
0x2b: {  	s6 =	sld [smem:$0x3FAB]  }
0x2c: {  	s7 =	sld [smem:$0x3FAC]  }
0x2d: {  	s3 =	simm.s32 $0x108;
	s8 =	sld [smem:$0x3FAD]  }
0x2e: {  	s3 =	simm.s32 @!p0 $0x1082;
	s9 =	sld [smem:$0x3FAE]  }
0x2f: {  	lr =	sadd.s32 s0, s3;
	s0 =	sld [smem:$0x3FA5]  }
0x30: {  	s3 =	sld [smem:$0x3FA8]  }
0x31: {  	[smem:$0x3FB1] =	sst s10  }
0x32: {  	s10 =	sld [smem:$0x3FAF];
	_ =	sdelay $0x3  }
0x33: {  	p0 =	seq.s32 s10, $0x1;
	s10 =	sld [smem:$0x3FB1];
	_ =	sdelay $0x3  }
0x34: {  	[smem:$0x3FB1] =	sst s10  }
0x35: {  	s10 =	sld [smem:$0x3FB0];
	_ =	sdelay $0x3  }
0x36: {  	p1 =	seq.s32 s10, $0x1;
	s10 =	sld [smem:$0x3FB1];
	_ =	sdelay $0x3  }
0x37: {  	[smem:$0x3FB1] =	sst s10  }
0x38: {  	s10 =	sld [smem:$0x3FB2]  }
0x39: {  	_ = 	snop;
	(pc) =	sbr.ind lr, $3  }
0x3a: {  	_ = 	snop  }
0x3b: {  	_ = 	snop  }
0x3c: {  	p2 =	seq.s32 s10, $0x1;
	s10 =	sld [smem:$0x3FB1]  }
0x3d: {  	_ =	shalt  }
0x3e: {  	_ =	shalt  }
0x3f: {  	_ =	shalt  }
0x40: {  	_ =	shalt  }
0x41: {  	_ =	shalt  }
0x42: {  	_ =	shalt  }
0x43: {  	_ =	shalt  }
0x44: {  	_ =	shalt  }
0x45: {  	_ =	shalt  }
0x46: {  	_ =	shalt  }
0x47: {  	_ =	shalt  }
0x48: {  	_ =	shalt  }
0x49: {  	_ =	shalt  }
0x4a: {  	_ =	shalt  }
0x4b: {  	_ =	shalt  }
0x4c: {  	_ =	shalt  }
0x4d: {  	_ =	shalt  }
0x4e: {  	_ =	shalt  }
0x4f: {  	_ =	shalt  }
0x50: {  	_ =	shalt  }
0x51: {  	_ =	shalt  }
0x52: {  	_ =	shalt  }
0x53: {  	_ =	shalt  }
0x54: {  	_ =	shalt  }
0x55: {  	_ =	shalt  }
0x56: {  	_ =	shalt  }
0x57: {  	_ =	shalt  }
0x58: {  	_ =	shalt  }
0x59: {  	_ =	shalt  }
0x5a: {  	_ =	shalt  }
0x5b: {  	_ =	shalt  }
0x5c: {  	_ =	shalt  }
0x5d: {  	_ =	shalt  }
0x5e: {  	_ =	shalt  }
0x5f: {  	_ =	shalt  }
0x60: {  	_ =	shalt  }
0x61: {  	_ =	shalt  }
0x62: {  	_ =	shalt  }
0x63: {  	_ =	shalt  }
0x64: {  	_ =	shalt  }
0x65: {  	_ =	shalt  }
0x66: {  	_ =	shalt  }
0x67: {  	_ =	shalt  }
0x68: {  	_ =	shalt  }
0x69: {  	_ =	shalt  }
0x6a: {  	_ =	shalt  }
0x6b: {  	_ =	shalt  }
0x6c: {  	_ =	shalt  }
0x6d: {  	_ =	shalt  }
0x6e: {  	_ =	shalt  }
0x6f: {  	_ =	shalt  }
0x70: {  	_ =	shalt  }
0x71: {  	_ =	shalt  }
0x72: {  	_ =	shalt  }
0x73: {  	_ =	shalt  }
0x74: {  	_ =	shalt  }
0x75: {  	_ =	shalt  }
0x76: {  	_ =	shalt  }
0x77: {  	_ =	shalt  }
0x78: {  	_ =	shalt  }
0x79: {  	_ =	shalt  }
0x7a: {  	_ =	shalt  }
0x7b: {  	_ =	shalt  }
0x7c: {  	_ =	shalt  }
0x7d: {  	_ =	shalt  }
0x7e: {  	_ =	shalt  }
0x7f: {  	_ =	shalt  }
0x80: {  	_ =	shalt  }
0x81: {  	_ =	shalt  }
0x82: {  	_ =	shalt  }
0x83: {  	_ =	shalt  }
0x84: {  	_ =	shalt  }
0x85: {  	_ =	shalt  }
0x86: {  	_ =	shalt  }
0x87: {  	_ =	shalt  }
.Lfunc_end0:
.L_simem_size_0:
called_computation.1_lowered:
.L_overlay_start_0:
0x88: {  	s2 =	sld [smem:$0x3FD9]  }
0x89: {  	s3 =	sld [smem:$0x3FFE];
	_ =	sdelay $0x1  }
0x8a: {  	s1 =	srdreg.scid  }
0x8b: {  	s0 =	sand.u32 $0x1, s1  }
0x8c: {  	s16 =	sshll.u32 s0, $0xA;
	s2 =	sadd.s32 s3, s2  }
0x8d: {  	s2 =	sadd.s32 s2, s16  }
0x8e: {  	[smem:$0x3FBD] =	sst s2  }
0x8f: {  	_ = 	snop  }
0x90: {  	(tm) =	ssettm $0x1  }
0x91: {  	s17 =	sld [smem:$0x3FFB];
	_ =	sdelay $0x3  }
0x92: {  	_ =	strace s17  }
0x93: {  	s2 =	sld [smem:$0x3FFC];
	_ =	sdelay $0x3  }
0x94: {  	_ =	strace s2  }
0x95: {  	s2 =	sld [smem:$0x3FFD];
	_ =	sdelay $0x3  }
0x96: {  	_ =	strace s2  }
0x97: {  	_ =	strace $0x8FFFFFFF  }
0x98: {  	s18 =	sld [smem:$0x3FDB];
	_ =	sdelay $0x1  }
0x99: {  	s19 =	simm.s32 $_scs_section_size  }
0x9a: {  	s4 =	simm.s32 $_size__tile_overlayer_lowered;
	s5 =	simm.s32 $_tile_overlayer_lowered  }
0x9b: {  	s22 =	simm.s32 $0x1BFF;
	s21 =	sshll.u32 s5, $0x1;
	s2 =	sadd.s32 s19, s18  }
0x9c: {  	s6 =	simm.s32 $0x0;
	s20 =	sshll.u32 s4, $0x1;
	s4 =	sadd.s32 s21, s2  }
0x9d: {  	[timem:s6], [sflag:s22] =	dma.local [hbm:s4], s20  }
0x9e: {  	_ =	swait.ge [sflag:s22], s20  }
0x9f: {  	s3 =	ssub.s32 $0x0, s20;
	[sflag:s22] =	ssyncset.done $0x0  }
0xa0: {  	[sflag:s22] =	ssyncadd.s32 s3;
	_ =	sdelay $0x1  }
0xa1: {  	s23 =	simm.s32 $0x1B8B  }
0xa2: {  	_ =	swait.ge [sflag:s23], $0x1  }
0xa3: {  	[sflag:s23] =	ssyncset.done $0x0  }
0xa4: {  	s25 =	simm.s32 $0x1B8E;
	s24 =	sld [smem:$0x3FFE];
	[sflag:s23] =	ssyncadd.s32 $0xFFFFFFFF  }
0xa5: {  	s26 =	simm.s32 $execute0_lowered;
	[smem:$0x3FD2] =	sst s25  }
0xa6: {  	s4 =	sshll.u32 s26, $0x1;
	_ =	strace $0x80000049;
	[dreg:$0x1] =	wrdreg $0xFFFFFFFF  }
0xa7: {  	s28 =	simm.s32 $_size_execute0_lowered;
	s2 =	sadd.s32 s2, s4;
	[dreg:$0x0] =	wrdreg $0x0  }
0xa8: {  	s4 =	sshll.u32 s28, $0x1;
	[dreg:$0x2] =	wrdreg s2  }
0xa9: {  	[dreg:$0x3] =	wrdreg s4  }
0xaa: {  	[dreg:$0x4] =	wrdreg $0xC0  }
0xab: {  	_ =	task [dreg:s6], $0x5FFFF  }
0xac: {  	[dreg:$0x1] =	wrdreg $0xFFFFFFFF  }
0xad: {  	[dreg:$0x0] =	wrdreg $0x60  }
0xae: {  	[dreg:$0x2] =	wrdreg s24  }
0xaf: {  	[dreg:$0x3] =	wrdreg $0xA9000  }
0xb0: {  	[dreg:$0x4] =	wrdreg $0x9  }
0xb1: {  	_ =	task.clear_ibuf [dreg:s6], $0x5FFFF;
	_ =	strace $0x90000049  }
0xb2: {  	s29 =	simm.s32 $0x9;
	_ =	strace $0x8000004B  }
0xb3: {  	_ =	swait.ge [sflag:s29], $0x1  }
0xb4: {  	[sflag:s29] =	ssyncadd.s32 $0xFFFFFFFF  }
0xb5: {  	_ =	strace $0x9000004B  }
0xb6: {  	_ =	sfence  }
0xb7: {  	s30 =	sld [smem:$0x0];
	_ =	sdelay $0x2  }
0xb8: {  	s31 =	sshll.u32 s1, $0xD;
	s1 =	sshrl.u32 s1, $0x2  }
0xb9: {  	s3 =	sand.u32 $0x4000, s31;
	s1 =	sadd.s32 s1, s30  }
0xba: {  	s0 =	sor.u32 s3, s0;
	s1 =	sshll.u32 s1, $0x11  }
0xbb: {  	s0 =	sor.u32 s1, s0  }
0xbc: {  	s0 =	sadd.s32 $0x8F2B, s0  }
0xbd: {  	[sflag:s0] =	ssyncadd.remote.s32 $0x1  }
0xbe: {  	_ =	sfence.sel $0xFFFF  }
0xbf: {  	[dreg:$0x0] =	wrdreg $0xFFFFFFFF;
	(pc) =	sbr.abs _section_cstart, $3  }
0xc0: {  	[dreg:$0x1] =	wrdreg $0xFFFFFFFF  }
0xc1: {  	_ =	task.clear_ibuf [dreg:s6], $0x2FFFF;
	_ =	strace $0x9FFFFFFF  }
0xc2: {  	(tm) =	ssettm $0x7FFFFFFF  }
0xc3: {  	_ =	shalt  }
tec
execute0_lowered:
.L_overlay_start_1:
0x0: {  	(tag) =	ssettag $0x1  }
0x1: {  	s1 =	srdreg.scid;
	s8 =	rddreg [dreg:$0x0]  }
0x2: {  	s0 =	stileid.u32;
	s2 =	rddreg [dreg:$0x1];
	s3 =	simm.s32 $0x0  }
0x3: {  	s17 =	simm.s32 $0x7D;
	s18 =	simm.s32 $0x2900;
	s19 =	simm.s32 $0x2880  }
0x4: {  	s20 =	simm.s32 $0x80;
	s21 =	simm.s32 $0x6900;
	s22 =	simm.s32 $0x1  }
0x5: {  	s23 =	simm.s32 $0x3;
	s24 =	simm.s32 $0x2;
	s25 =	simm.s32 $0x4  }
0x6: {  	s26 =	simm.s32 $0x0;
	s7 =	sand.u32 $0x1, s1;
	s28 =	sshll.u32 s0, $0x1  }
0x7: {  	[smem:$0x7FF] =	sst s3;
	s11 =	smul.u32 $0x13C00, s0;
	s5 =	sadd.s32 $0x26800, s8  }
0x8: {  	s6 =	sadd.s32 $0x3200, s8;
	s13 =	smul.u32 $0x4F000, s0;
	s31 =	sshll.u32 s0, $0x6  }
0x9: {  	s4 =	sor.u32 s7, s28;
	s9 =	smul.u32 $0x13C000, s7;
	_ =	strace $0x8000004A  }
0xa: {  	s29 =	ssub.s32 $0x2, s7;
	s7 =	sadd.s32 $0xD200, s8;
	s4 =	smul.u32 $0x2800, s4  }
0xb: {  	s14 =	sshrl.u32 s29, $0x1;
	s30 =	sshrl.u32 s13, $0x2;
	s9 =	sadd.s32 s11, s9  }
0xc: {  	s14 =	ssub.s32 s29, s14;
	s16 =	sadd.s32 s30, s2;
	s10 =	sshrl.u32 s4, $0x3  }
0xd: {  	s9 =	sshrl.u32 s9, $0x3;
	s13 =	smax.u32 s14, $0x1;
	s14 =	sshrl.u32 s16, $0x3  }
0xe: {  	s16 =	simm.s32 $0x2800;
	s12 =	sadd.s32 s10, s8;
	s15 =	sadd.s32 s9, s8  }
0xf: {  	s8 =	sadd.s32 s6, s10;
	s9 =	sor.u32 $0x1C05, s31;
	s10 =	sadd.s32 $0x1C800, s12  }
0x10: {  	s11 =	sadd.s32 $0x10, s8;
	s12 =	sadd.s32 $0x4DA00, s15;
	s15 =	simm.s32 $0x5  }
.LBB2_1:
0x11: {  	[spmem:s14], [sflag:s9] =	dma.local [hbm:s7], $0x2780  }
0x12: {  	_ =	swait.ge [sflag:s15], $0x2780  }
0x13: {  	[sflag:s15] =	ssyncset.done $0x0  }
0x14: {  	[sflag:s15] =	ssyncadd.s32 $0xFFFFD880  }
0x15: {  	[tilespmem:s3], [sflag:$0x5] =	stream.linear.gather [hbm4b:s10+s3], $0x2800, $0x38;
	[tilespmem:$0x1E500] =	vst v63  }
0x16: {  	_ =	swait.ge [sflag:s15], $0x2800  }
0x17: {  	[sflag:s15] =	ssyncset.done $0x0  }
0x18: {  	[sflag:s15] =	ssyncadd.s32 $0xFFFFD800  }
0x19: {  	[bflag:$0x0] =	sbarrier.arrive $0xFFFF  }
0x1a: {  	[tilespmem:s16], [sflag:$0x1] =	stream.linear.gather [hbm4b:s8+s3], $0x80, $0x38;
	[tilespmem:$0x1E500] =	vst v63  }
0x1b: {  	_ = 	snop  }
0x1c: {  	[tilespmem:s18], [sflag:$0x3] =	stream.indirect.gather [hbm4b:s5+s17], $0x80, s3, s17, $0xb8;
	[tilespmem:$0x1E500] =	vst v63  }
0x1d: {  	_ = 	snop  }
0x1e: {  	[tilespmem:s19], [sflag:$0x2] =	stream.linear.gather [hbm4b:s11+s3], $0x80, $0x38;
	[tilespmem:$0x1E500] =	vst v63  }
0x1f: {  	_ = 	snop  }
0x20: {  	[tilespmem:s21], [sflag:$0x4] =	stream.indirect.gather [hbm4b:s5+s17], $0x80, s20, s17, $0xb8;
	[tilespmem:$0x1E500] =	vst v63  }
0x21: {  	_ =	swait.ge [sflag:s22], $0x80  }
0x22: {  	[sflag:s22] =	ssyncset.done $0x0  }
0x23: {  	[sflag:s22] =	ssyncadd.s32 $0xFFFFFF80  }
0x24: {  	s28 =	simm.s32 $0x100;
	_ =	swait.ge [sflag:s23], $0x3E80  }
0x25: {  	s29 =	sand.u32 $0x7C00, s28;
	[sflag:s23] =	ssyncset.done $0x0  }
0x26: {  	s28 =	sand.u32 $0x300, s28;
	s29 =	sadd.s32 s4, s29;
	[sflag:s23] =	ssyncadd.s32 $0xFFFFC180  }
0x27: {  	[spmem:s2] =	stream.indirect.scatter.add.f32 [tilespmem:s18], [sflag:$0x5], $0x80, s16, s17, $0xb8;
	[tilespmem:$0x1E500] =	vst v63  }
0x28: {  	s28 =	sor.u32 s28, s29;
	_ =	swait.ge [sflag:s15], $0x3E80  }
0x29: {  	s28 =	sshrl.u32 s28, $0x3;
	[sflag:s15] =	ssyncset.done $0x0  }
0x2a: {  	s28 =	sadd.s32 s6, s28;
	[sflag:s15] =	ssyncadd.s32 $0xFFFFC180  }
0x2b: {  	[tilespmem:s16], [sflag:$0x1] =	stream.linear.gather [hbm4b:s28+s3], $0x80, $0x38;
	[tilespmem:$0x1E500] =	vst v63  }
0x2c: {  	s28 =	simm.s32 $0x100  }
0x2d: {  	[tilespmem:s18], [sflag:$0x3] =	stream.indirect.gather [hbm4b:s5+s17], $0x80, s28, s17, $0xb8;
	[tilespmem:$0x1E500] =	vst v63  }
0x2e: {  	_ =	swait.ge [sflag:s24], $0x80  }
0x2f: {  	[sflag:s24] =	ssyncset.done $0x0  }
0x30: {  	[sflag:s24] =	ssyncadd.s32 $0xFFFFFF80  }
0x31: {  	s28 =	simm.s32 $0x180;
	_ =	swait.ge [sflag:s25], $0x3E80  }
0x32: {  	s29 =	sand.u32 $0x7C00, s28;
	[sflag:s25] =	ssyncset.done $0x0  }
0x33: {  	s28 =	sand.u32 $0x380, s28;
	s29 =	sadd.s32 s4, s29;
	[sflag:s25] =	ssyncadd.s32 $0xFFFFC180  }
0x34: {  	[spmem:s2] =	stream.indirect.scatter.add.f32 [tilespmem:s21], [sflag:$0x5], $0x80, s19, s17, $0xb8;
	[tilespmem:$0x1E500] =	vst v63  }
0x35: {  	s28 =	sor.u32 s28, s29;
	_ =	swait.ge [sflag:s15], $0x3E80  }
0x36: {  	s28 =	sshrl.u32 s28, $0x3;
	[sflag:s15] =	ssyncset.done $0x0  }
0x37: {  	s28 =	sadd.s32 s6, s28;
	[sflag:s15] =	ssyncadd.s32 $0xFFFFC180  }
0x38: {  	[tilespmem:s19], [sflag:$0x2] =	stream.linear.gather [hbm4b:s28+s3], $0x80, $0x38;
	[tilespmem:$0x1E500] =	vst v63  }
0x39: {  	s30 =	simm.s32 $0x200;
	s29 =	simm.s32 $0x180;
	s28 =	simm.s32 $0x280  }
.LBB2_2:
0x3a: {  	s31 =	sadd.s32 $0x80, s30  }
0x3b: {  	p0 =	sne.s32 s28, $0x2780;
	s1 =	smov.u32 s28;
	s28 =	sadd.s32 $0x100, s28  }
0x3c: {  	[tilespmem:s21], [sflag:$0x4] =	stream.indirect.gather [hbm4b:s5+s17], $0x80, s29, s17, $0xb8;
	[tilespmem:$0x1E500] =	vst v63  }
0x3d: {  	s29 =	smov.u32 s31;
	_ =	swait.ge [sflag:s22], $0x80  }
0x3e: {  	[sflag:s22] =	ssyncset.done $0x0  }
0x3f: {  	[sflag:s22] =	ssyncadd.s32 $0xFFFFFF80  }
0x40: {  	_ =	swait.ge [sflag:s23], $0x3E80  }
0x41: {  	s31 =	sadd.s32 $0xFFFFFF80, s1;
	[sflag:s23] =	ssyncset.done $0x0  }
0x42: {  	s0 =	sand.u32 $0x7C00, s31;
	s31 =	sand.u32 $0x300, s31;
	[sflag:s23] =	ssyncadd.s32 $0xFFFFC180  }
0x43: {  	[spmem:s2] =	stream.indirect.scatter.add.f32 [tilespmem:s18], [sflag:$0x5], $0x80, s16, s17, $0xb8;
	[tilespmem:$0x1E500] =	vst v63  }
0x44: {  	s0 =	sadd.s32 s4, s0;
	_ =	swait.ge [sflag:s15], $0x3E80  }
0x45: {  	s0 =	sor.u32 s31, s0;
	[sflag:s15] =	ssyncset.done $0x0  }
0x46: {  	s0 =	sshrl.u32 s0, $0x3;
	[sflag:s15] =	ssyncadd.s32 $0xFFFFC180  }
0x47: {  	s0 =	sadd.s32 s6, s0  }
0x48: {  	[tilespmem:s16], [sflag:$0x1] =	stream.linear.gather [hbm4b:s0+s3], $0x80, $0x38;
	[tilespmem:$0x1E500] =	vst v63  }
0x49: {  	_ = 	snop  }
0x4a: {  	[tilespmem:s18], [sflag:$0x3] =	stream.indirect.gather [hbm4b:s5+s17], $0x80, s30, s17, $0xb8;
	[tilespmem:$0x1E500] =	vst v63  }
0x4b: {  	_ =	swait.ge [sflag:s24], $0x80  }
0x4c: {  	[sflag:s24] =	ssyncset.done $0x0  }
0x4d: {  	[sflag:s24] =	ssyncadd.s32 $0xFFFFFF80  }
0x4e: {  	_ =	swait.ge [sflag:s25], $0x3E80  }
0x4f: {  	s0 =	sand.u32 $0x7C00, s1;
	[sflag:s25] =	ssyncset.done $0x0  }
0x50: {  	s1 =	sand.u32 $0x380, s1;
	s0 =	sadd.s32 s4, s0;
	[sflag:s25] =	ssyncadd.s32 $0xFFFFC180  }
0x51: {  	[spmem:s2] =	stream.indirect.scatter.add.f32 [tilespmem:s21], [sflag:$0x5], $0x80, s19, s17, $0xb8;
	[tilespmem:$0x1E500] =	vst v63  }
.Ltmp0:
0x52: {  	_ = 	snop;
	(pc) =	sbr.rel @p0 .LBB2_2-.Ltmp0, $4  }
0x53: {  	s0 =	sor.u32 s1, s0;
	_ =	swait.ge [sflag:s15], $0x3E80  }
0x54: {  	s0 =	sshrl.u32 s0, $0x3;
	[sflag:s15] =	ssyncset.done $0x0  }
0x55: {  	s30 =	sadd.s32 $0x100, s30;
	s0 =	sadd.s32 s6, s0;
	[sflag:s15] =	ssyncadd.s32 $0xFFFFC180  }
0x56: {  	[tilespmem:s19], [sflag:$0x2] =	stream.linear.gather [hbm4b:s0+s3], $0x80, $0x38;
	[tilespmem:$0x1E500] =	vst v63  }
0x57: {  	[tilespmem:s21], [sflag:$0x4] =	stream.indirect.gather [hbm4b:s5+s17], $0x80, s29, s17, $0xb8;
	[tilespmem:$0x1E500] =	vst v63  }
0x58: {  	_ =	swait.ge [sflag:s22], $0x80  }
0x59: {  	[sflag:s22] =	ssyncset.done $0x0  }
0x5a: {  	[sflag:s22] =	ssyncadd.s32 $0xFFFFFF80  }
0x5b: {  	_ =	swait.ge [sflag:s23], $0x3E80  }
0x5c: {  	[sflag:s23] =	ssyncset.done $0x0  }
0x5d: {  	[sflag:s23] =	ssyncadd.s32 $0xFFFFC180  }
0x5e: {  	[spmem:s2] =	stream.indirect.scatter.add.f32 [tilespmem:s18], [sflag:$0x5], $0x80, s16, s17, $0xb8;
	[tilespmem:$0x1E500] =	vst v63  }
0x5f: {  	_ =	swait.ge [sflag:s15], $0x3E80  }
0x60: {  	[sflag:s15] =	ssyncset.done $0x0  }
0x61: {  	[sflag:s15] =	ssyncadd.s32 $0xFFFFC180  }
0x62: {  	_ =	swait.ge [sflag:s24], $0x80  }
0x63: {  	[sflag:s24] =	ssyncset.done $0x0  }
0x64: {  	[sflag:s24] =	ssyncadd.s32 $0xFFFFFF80  }
0x65: {  	_ =	swait.ge [sflag:s25], $0x3E80  }
0x66: {  	[sflag:s25] =	ssyncset.done $0x0  }
0x67: {  	[sflag:s25] =	ssyncadd.s32 $0xFFFFC180  }
0x68: {  	[spmem:s2] =	stream.indirect.scatter.add.f32 [tilespmem:s21], [sflag:$0x5], $0x80, s19, s17, $0xb8;
	[tilespmem:$0x1E500] =	vst v63  }
0x69: {  	_ =	swait.ge [sflag:s15], $0x3E80  }
0x6a: {  	s26 =	sadd.s32 $0x1, s26;
	[sflag:s15] =	ssyncset.done $0x0  }
0x6b: {  	p0 =	sne.s32 s26, s13;
	[sflag:s15] =	ssyncadd.s32 $0xFFFFC180  }
.Ltmp1:
0x6c: {  	[bflag:$0x0] =	sbarrier.arrive $0xFFFF;
	(pc) =	sbr.rel @p0 .LBB2_1-.Ltmp1, $4  }
0x6d: {  	[hbm:s12], [sflag:s9] =	dma.local [spmem:s14], $0x2780  }
0x6e: {  	_ =	swait.ge [sflag:s15], $0x2780  }
0x6f: {  	[sflag:s15] =	ssyncset.done $0x0  }
0x70: {  	[sflag:s15] =	ssyncadd.s32 $0xFFFFD880  }
0x71: {  	_ =	sfence.sel $0x180000  }
0x72: {  	[bflag:$0x0] =	sbarrier.arrive $0xFFFF  }
0x73: {  	_ =	strace $0x9000004A  }
0x74: {  	s0 =	stileid.u32;
	[bflag:$0x2] =	sbarrier.arrive $0xFFFF  }
0x75: {  	p0 =	sne.s32 s0, $0x0;
	s0 =	rddreg [dreg:$0x2]  }
0x76: {  	s0 =	sadd.s32 @!p0 $0x100000, s0  }
0x77: {  	[sflag:s0] =	ssyncadd.tile.s32 @!p0 $0x1;
	_ =	shalt  }
.Lfunc_end2:
_tile_overlayer_lowered:
.L_overlay_start_2:
0x78: {  	(tag) =	ssettag $0x2  }
0x79: {  	s0 =	rddreg [dreg:$0x0];
	s2 =	stileid.u32  }
0x7a: {  	s1 =	rddreg [dreg:$0x1];
	p0 =	sne.s32 s2, $0x0  }
0x7b: {  	s3 =	rddreg [dreg:$0x2];
	[bflag:$0x3] =	sbarrier.arrive $0xFFFF;
	s2 =	simm.s32 @!p0 $0x1C05  }
0x7c: {  	[timem:s3], [sflag:s2] =	dma.local @!p0 [hbm:s0], s1  }
0x7d: {  	s0 =	simm.s32 @!p0 $0x5  }
0x7e: {  	_ =	swait.ge @!p0 [sflag:s0], s1  }
0x7f: {  	s1 =	ssub.s32 @!p0 $0x0, s1;
	[sflag:s0] =	ssyncset.done @!p0 $0x0  }
0x80: {  	[sflag:s0] =	ssyncadd.s32 @!p0 s1  }
0x81: {  	[bflag:$0x3] =	sbarrier.arrive $0xFFFF  }
0x82: {  	_ =	shalt  }

// kernel: kernel.16.cloned.1.call-start
scs
__scs_entry_jumppad:
0x0: {  	(pc) =	sbr.rel $0x88, $3  }
0x1: {  	(tag) =	ssettag $0x0;
	lr =	simm.s32 $0x1  }
0x2: {  	[smem:$0x3F96] =	sst lr;
	_ =	strace $0xD0000000  }
0x3: {  	_ = 	snop  }
0x4: {  	_ = 	snop  }
0x5: {  	_ = 	snop  }
0x6: {  	_ = 	snop  }
0x7: {  	_ = 	snop  }
__scs_overlays_trampoline_lowered:
0x8: {  	[smem:$0x3FA5] =	sst s0  }
0x9: {  	[smem:$0x3FA6] =	sst s1  }
0xa: {  	[smem:$0x3FA7] =	sst s2  }
0xb: {  	[smem:$0x3FA8] =	sst s3  }
0xc: {  	[smem:$0x3FA9] =	sst s4  }
0xd: {  	[smem:$0x3FAA] =	sst s5  }
0xe: {  	[smem:$0x3FAB] =	sst s6  }
0xf: {  	[smem:$0x3FAC] =	sst s7  }
0x10: {  	[smem:$0x3FAD] =	sst s8  }
0x11: {  	[smem:$0x3FAE] =	sst s9;
	s0 =	simm.s32 @!p0 $0x0  }
0x12: {  	s1 =	sld [smem:$0x3F94];
	s0 =	simm.s32 @p0 $0x1  }
0x13: {  	[smem:$0x3FAF] =	sst s0;
	s0 =	simm.s32 @!p1 $0x0  }
0x14: {  	s2 =	sld [smem:$0x3F93];
	s0 =	simm.s32 @p1 $0x1  }
0x15: {  	[smem:$0x3FB0] =	sst s0;
	s0 =	simm.s32 @!p2 $0x0  }
0x16: {  	s3 =	sld [smem:$0x3FDB];
	s0 =	simm.s32 @p2 $0x1  }
0x17: {  	s4 =	simm.s32 $0x1BF5;
	[smem:$0x3FB2] =	sst s0  }
0x18: {  	s0 =	sld [smem:$0x3F95];
	_ =	swait.ge [sflag:s4], $0x0  }
0x19: {  	s7 =	sld [smem:$0x3F96]  }
0x1a: {  	s8 =	sadd.s32 $0xFFFFE003, lr  }
0x1b: {  	s9 =	sadd.s32 $0xFFFFFEF7, lr;
	s5 =	simm.s32 $0xFFFFFFFF;
	p2 =	slt.u32 s8, $0xFFFFF086  }
0x1c: {  	p1 =	slt.u32 s9, $0xF7A;
	s5 =	simm.s32 @!p2 $0x0  }
0x1d: {  	s5 =	simm.s32 @p1 $0x1;
	p0 =	seq.s32 s7, s2  }
0x1e: {  	s7 =	smul.u32 @!p0 $0xF7A, s2;
	p2 =	seq.s32 @!p0 s5, $0x0  }
0x1f: {  	s9 =	smul.u32 $0xF7A, s1;
	s8 =	simm.s32 @!p0 $0x1BF5;
	p2 =	por !p2, p0  }
0x20: {  	[sflag:s8] =	ssyncset.s32 @!p0 $0xFFFFF086;
	s6 =	sadd.s32 @!p0 s3, s7;
	s7 =	simm.s32 @!p0 $0x108  }
0x21: {  	s3 =	sadd.s32 s3, s9;
	s6 =	sadd.s32 @!p0 $0x88, s6;
	s7 =	simm.s32 @p2 $0x1082  }
0x22: {  	[simem:s7], [sflag:s8] =	dma.local @!p0 [hbm:s6], $0xF7A  }
0x23: {  	s9 =	sor.u32 $0xD0000000, s2;
	s6 =	simm.s32 $0x108;
	_ =	swait.ge @!p0 [sflag:s8], $0x0  }
0x24: {  	s3 =	sadd.s32 $0x88, s3;
	s6 =	simm.s32 @!p1 $0x1082;
	[sflag:s4] =	ssyncset.s32 $0xFFFFF086  }
0x25: {  	[simem:s6], [sflag:s4] =	dma.local [hbm:s3], $0xF7A  }
0x26: {  	[smem:$0x3F96] =	sst s1;
	(tag) =	ssettag s2;
	_ =	strace s9  }
0x27: {  	s1 =	sld [smem:$0x3FA6]  }
0x28: {  	s2 =	sld [smem:$0x3FA7]  }
0x29: {  	s4 =	sld [smem:$0x3FA9]  }
0x2a: {  	p0 =	seq.s32 s5, $0x0;
	s5 =	sld [smem:$0x3FAA]  }
0x2b: {  	s6 =	sld [smem:$0x3FAB]  }
0x2c: {  	s7 =	sld [smem:$0x3FAC]  }
0x2d: {  	s3 =	simm.s32 $0x108;
	s8 =	sld [smem:$0x3FAD]  }
0x2e: {  	s3 =	simm.s32 @!p0 $0x1082;
	s9 =	sld [smem:$0x3FAE]  }
0x2f: {  	lr =	sadd.s32 s0, s3;
	s0 =	sld [smem:$0x3FA5]  }
0x30: {  	s3 =	sld [smem:$0x3FA8]  }
0x31: {  	[smem:$0x3FB1] =	sst s10  }
0x32: {  	s10 =	sld [smem:$0x3FAF];
	_ =	sdelay $0x3  }
0x33: {  	p0 =	seq.s32 s10, $0x1;
	s10 =	sld [smem:$0x3FB1];
	_ =	sdelay $0x3  }
0x34: {  	[smem:$0x3FB1] =	sst s10  }
0x35: {  	s10 =	sld [smem:$0x3FB0];
	_ =	sdelay $0x3  }
0x36: {  	p1 =	seq.s32 s10, $0x1;
	s10 =	sld [smem:$0x3FB1];
	_ =	sdelay $0x3  }
0x37: {  	[smem:$0x3FB1] =	sst s10  }
0x38: {  	s10 =	sld [smem:$0x3FB2]  }
0x39: {  	_ = 	snop;
	(pc) =	sbr.ind lr, $3  }
0x3a: {  	_ = 	snop  }
0x3b: {  	_ = 	snop  }
0x3c: {  	p2 =	seq.s32 s10, $0x1;
	s10 =	sld [smem:$0x3FB1]  }
0x3d: {  	_ =	shalt  }
0x3e: {  	_ =	shalt  }
0x3f: {  	_ =	shalt  }
0x40: {  	_ =	shalt  }
0x41: {  	_ =	shalt  }
0x42: {  	_ =	shalt  }
0x43: {  	_ =	shalt  }
0x44: {  	_ =	shalt  }
0x45: {  	_ =	shalt  }
0x46: {  	_ =	shalt  }
0x47: {  	_ =	shalt  }
0x48: {  	_ =	shalt  }
0x49: {  	_ =	shalt  }
0x4a: {  	_ =	shalt  }
0x4b: {  	_ =	shalt  }
0x4c: {  	_ =	shalt  }
0x4d: {  	_ =	shalt  }
0x4e: {  	_ =	shalt  }
0x4f: {  	_ =	shalt  }
0x50: {  	_ =	shalt  }
0x51: {  	_ =	shalt  }
0x52: {  	_ =	shalt  }
0x53: {  	_ =	shalt  }
0x54: {  	_ =	shalt  }
0x55: {  	_ =	shalt  }
0x56: {  	_ =	shalt  }
0x57: {  	_ =	shalt  }
0x58: {  	_ =	shalt  }
0x59: {  	_ =	shalt  }
0x5a: {  	_ =	shalt  }
0x5b: {  	_ =	shalt  }
0x5c: {  	_ =	shalt  }
0x5d: {  	_ =	shalt  }
0x5e: {  	_ =	shalt  }
0x5f: {  	_ =	shalt  }
0x60: {  	_ =	shalt  }
0x61: {  	_ =	shalt  }
0x62: {  	_ =	shalt  }
0x63: {  	_ =	shalt  }
0x64: {  	_ =	shalt  }
0x65: {  	_ =	shalt  }
0x66: {  	_ =	shalt  }
0x67: {  	_ =	shalt  }
0x68: {  	_ =	shalt  }
0x69: {  	_ =	shalt  }
0x6a: {  	_ =	shalt  }
0x6b: {  	_ =	shalt  }
0x6c: {  	_ =	shalt  }
0x6d: {  	_ =	shalt  }
0x6e: {  	_ =	shalt  }
0x6f: {  	_ =	shalt  }
0x70: {  	_ =	shalt  }
0x71: {  	_ =	shalt  }
0x72: {  	_ =	shalt  }
0x73: {  	_ =	shalt  }
0x74: {  	_ =	shalt  }
0x75: {  	_ =	shalt  }
0x76: {  	_ =	shalt  }
0x77: {  	_ =	shalt  }
0x78: {  	_ =	shalt  }
0x79: {  	_ =	shalt  }
0x7a: {  	_ =	shalt  }
0x7b: {  	_ =	shalt  }
0x7c: {  	_ =	shalt  }
0x7d: {  	_ =	shalt  }
0x7e: {  	_ =	shalt  }
0x7f: {  	_ =	shalt  }
0x80: {  	_ =	shalt  }
0x81: {  	_ =	shalt  }
0x82: {  	_ =	shalt  }
0x83: {  	_ =	shalt  }
0x84: {  	_ =	shalt  }
0x85: {  	_ =	shalt  }
0x86: {  	_ =	shalt  }
0x87: {  	_ =	shalt  }
.Lfunc_end0:
.L_simem_size_0:
called_computation.2_lowered:
.L_overlay_start_0:
0x88: {  	s2 =	sld [smem:$0x3FD9]  }
0x89: {  	s3 =	sld [smem:$0x3FFE];
	_ =	sdelay $0x1  }
0x8a: {  	s1 =	srdreg.scid  }
0x8b: {  	s0 =	sand.u32 $0x1, s1  }
0x8c: {  	s16 =	sshll.u32 s0, $0xA;
	s2 =	sadd.s32 s3, s2  }
0x8d: {  	s2 =	sadd.s32 s2, s16  }
0x8e: {  	[smem:$0x3FBD] =	sst s2  }
0x8f: {  	_ = 	snop  }
0x90: {  	(tm) =	ssettm $0x1  }
0x91: {  	s17 =	sld [smem:$0x3FFB];
	_ =	sdelay $0x3  }
0x92: {  	_ =	strace s17  }
0x93: {  	s2 =	sld [smem:$0x3FFC];
	_ =	sdelay $0x3  }
0x94: {  	_ =	strace s2  }
0x95: {  	s2 =	sld [smem:$0x3FFD];
	_ =	sdelay $0x3  }
0x96: {  	_ =	strace s2  }
0x97: {  	_ =	strace $0x8FFFFFFF  }
0x98: {  	s18 =	sld [smem:$0x3FDB];
	_ =	sdelay $0x1  }
0x99: {  	s19 =	simm.s32 $_scs_section_size  }
0x9a: {  	s4 =	simm.s32 $_size__tile_overlayer_lowered;
	s5 =	simm.s32 $_tile_overlayer_lowered  }
0x9b: {  	s22 =	simm.s32 $0x1BFF;
	s21 =	sshll.u32 s5, $0x1;
	s2 =	sadd.s32 s19, s18  }
0x9c: {  	s6 =	simm.s32 $0x0;
	s20 =	sshll.u32 s4, $0x1;
	s4 =	sadd.s32 s21, s2  }
0x9d: {  	[timem:s6], [sflag:s22] =	dma.local [hbm:s4], s20  }
0x9e: {  	_ =	swait.ge [sflag:s22], s20  }
0x9f: {  	s3 =	ssub.s32 $0x0, s20;
	[sflag:s22] =	ssyncset.done $0x0  }
0xa0: {  	[sflag:s22] =	ssyncadd.s32 s3;
	_ =	sdelay $0x1  }
0xa1: {  	s23 =	simm.s32 $0x1B8B  }
0xa2: {  	_ =	swait.ge [sflag:s23], $0x1  }
0xa3: {  	[sflag:s23] =	ssyncset.done $0x0  }
0xa4: {  	s25 =	simm.s32 $0x1B8E;
	s24 =	sld [smem:$0x3FFE];
	[sflag:s23] =	ssyncadd.s32 $0xFFFFFFFF  }
0xa5: {  	s26 =	simm.s32 $execute0_lowered;
	[smem:$0x3FD2] =	sst s25  }
0xa6: {  	s4 =	sshll.u32 s26, $0x1;
	_ =	strace $0x8000004C;
	[dreg:$0x1] =	wrdreg $0xFFFFFFFF  }
0xa7: {  	s28 =	simm.s32 $_size_execute0_lowered;
	s2 =	sadd.s32 s2, s4;
	[dreg:$0x0] =	wrdreg $0x0  }
0xa8: {  	s4 =	sshll.u32 s28, $0x1;
	[dreg:$0x2] =	wrdreg s2  }
0xa9: {  	[dreg:$0x3] =	wrdreg s4  }
0xaa: {  	[dreg:$0x4] =	wrdreg $0xC0  }
0xab: {  	_ =	task [dreg:s6], $0x5FFFF  }
0xac: {  	[dreg:$0x1] =	wrdreg $0xFFFFFFFF  }
0xad: {  	[dreg:$0x0] =	wrdreg $0x60  }
0xae: {  	[dreg:$0x2] =	wrdreg s24  }
0xaf: {  	[dreg:$0x3] =	wrdreg $0xA9000  }
0xb0: {  	[dreg:$0x4] =	wrdreg $0x9  }
0xb1: {  	_ =	task.clear_ibuf [dreg:s6], $0x5FFFF;
	_ =	strace $0x9000004C  }
0xb2: {  	s29 =	simm.s32 $0x9;
	_ =	strace $0x8000004E  }
0xb3: {  	_ =	swait.ge [sflag:s29], $0x1  }
0xb4: {  	[sflag:s29] =	ssyncadd.s32 $0xFFFFFFFF  }
0xb5: {  	_ =	strace $0x9000004E  }
0xb6: {  	_ =	sfence  }
0xb7: {  	s30 =	sld [smem:$0x0];
	_ =	sdelay $0x2  }
0xb8: {  	s31 =	sshll.u32 s1, $0xD;
	s1 =	sshrl.u32 s1, $0x2  }
0xb9: {  	s3 =	sand.u32 $0x4000, s31;
	s1 =	sadd.s32 s1, s30  }
0xba: {  	s0 =	sor.u32 s3, s0;
	s1 =	sshll.u32 s1, $0x11  }
0xbb: {  	s0 =	sor.u32 s1, s0  }
0xbc: {  	s0 =	sadd.s32 $0x8F2B, s0  }
0xbd: {  	[sflag:s0] =	ssyncadd.remote.s32 $0x1  }
0xbe: {  	_ =	sfence.sel $0xFFFF  }
0xbf: {  	[dreg:$0x0] =	wrdreg $0xFFFFFFFF;
	(pc) =	sbr.abs _section_cstart, $3  }
0xc0: {  	[dreg:$0x1] =	wrdreg $0xFFFFFFFF  }
0xc1: {  	_ =	task.clear_ibuf [dreg:s6], $0x2FFFF;
	_ =	strace $0x9FFFFFFF  }
0xc2: {  	(tm) =	ssettm $0x7FFFFFFF  }
0xc3: {  	_ =	shalt  }
tec
execute0_lowered:
.L_overlay_start_1:
0x0: {  	(tag) =	ssettag $0x1  }
0x1: {  	s1 =	srdreg.scid;
	s8 =	rddreg [dreg:$0x0]  }
0x2: {  	s0 =	stileid.u32;
	s2 =	rddreg [dreg:$0x1];
	s3 =	simm.s32 $0x0  }
0x3: {  	s17 =	simm.s32 $0x7D;
	s18 =	simm.s32 $0x2900;
	s19 =	simm.s32 $0x2880  }
0x4: {  	s20 =	simm.s32 $0x80;
	s21 =	simm.s32 $0x6900;
	s22 =	simm.s32 $0x1  }
0x5: {  	s23 =	simm.s32 $0x3;
	s24 =	simm.s32 $0x2;
	s25 =	simm.s32 $0x4  }
0x6: {  	s26 =	simm.s32 $0x0;
	s7 =	sand.u32 $0x1, s1;
	s28 =	sshll.u32 s0, $0x1  }
0x7: {  	[smem:$0x7FF] =	sst s3;
	s11 =	smul.u32 $0x13C00, s0;
	s5 =	sadd.s32 $0x26800, s8  }
0x8: {  	s6 =	sadd.s32 $0x3200, s8;
	s13 =	smul.u32 $0x4F000, s0;
	s31 =	sshll.u32 s0, $0x6  }
0x9: {  	s4 =	sor.u32 s7, s28;
	s9 =	smul.u32 $0x13C000, s7;
	_ =	strace $0x8000004D  }
0xa: {  	s29 =	ssub.s32 $0x2, s7;
	s7 =	sadd.s32 $0xD200, s8;
	s4 =	smul.u32 $0x2800, s4  }
0xb: {  	s14 =	sshrl.u32 s29, $0x1;
	s30 =	sshrl.u32 s13, $0x2;
	s9 =	sadd.s32 s11, s9  }
0xc: {  	s14 =	ssub.s32 s29, s14;
	s16 =	sadd.s32 s30, s2;
	s10 =	sshrl.u32 s4, $0x3  }
0xd: {  	s9 =	sshrl.u32 s9, $0x3;
	s13 =	smax.u32 s14, $0x1;
	s14 =	sshrl.u32 s16, $0x3  }
0xe: {  	s16 =	simm.s32 $0x2800;
	s12 =	sadd.s32 s10, s8;
	s15 =	sadd.s32 s9, s8  }
0xf: {  	s8 =	sadd.s32 s6, s10;
	s9 =	sor.u32 $0x1C05, s31;
	s10 =	sadd.s32 $0x1C800, s12  }
0x10: {  	s11 =	sadd.s32 $0x10, s8;
	s12 =	sadd.s32 $0x4DA00, s15;
	s15 =	simm.s32 $0x5  }
.LBB2_1:
0x11: {  	[spmem:s14], [sflag:s9] =	dma.local [hbm:s7], $0x2780  }
0x12: {  	_ =	swait.ge [sflag:s15], $0x2780  }
0x13: {  	[sflag:s15] =	ssyncset.done $0x0  }
0x14: {  	[sflag:s15] =	ssyncadd.s32 $0xFFFFD880  }
0x15: {  	[tilespmem:s3], [sflag:$0x5] =	stream.linear.gather [hbm4b:s10+s3], $0x2800, $0x38;
	[tilespmem:$0x1E500] =	vst v63  }
0x16: {  	_ =	swait.ge [sflag:s15], $0x2800  }
0x17: {  	[sflag:s15] =	ssyncset.done $0x0  }
0x18: {  	[sflag:s15] =	ssyncadd.s32 $0xFFFFD800  }
0x19: {  	[bflag:$0x0] =	sbarrier.arrive $0xFFFF  }
0x1a: {  	[tilespmem:s16], [sflag:$0x1] =	stream.linear.gather [hbm4b:s8+s3], $0x80, $0x38;
	[tilespmem:$0x1E500] =	vst v63  }
0x1b: {  	_ = 	snop  }
0x1c: {  	[tilespmem:s18], [sflag:$0x3] =	stream.indirect.gather [hbm4b:s5+s17], $0x80, s3, s17, $0xb8;
	[tilespmem:$0x1E500] =	vst v63  }
0x1d: {  	_ = 	snop  }
0x1e: {  	[tilespmem:s19], [sflag:$0x2] =	stream.linear.gather [hbm4b:s11+s3], $0x80, $0x38;
	[tilespmem:$0x1E500] =	vst v63  }
0x1f: {  	_ = 	snop  }
0x20: {  	[tilespmem:s21], [sflag:$0x4] =	stream.indirect.gather [hbm4b:s5+s17], $0x80, s20, s17, $0xb8;
	[tilespmem:$0x1E500] =	vst v63  }
0x21: {  	_ =	swait.ge [sflag:s22], $0x80  }
0x22: {  	[sflag:s22] =	ssyncset.done $0x0  }
0x23: {  	[sflag:s22] =	ssyncadd.s32 $0xFFFFFF80  }
0x24: {  	s28 =	simm.s32 $0x100;
	_ =	swait.ge [sflag:s23], $0x3E80  }
0x25: {  	s29 =	sand.u32 $0x7C00, s28;
	[sflag:s23] =	ssyncset.done $0x0  }
0x26: {  	s28 =	sand.u32 $0x300, s28;
	s29 =	sadd.s32 s4, s29;
	[sflag:s23] =	ssyncadd.s32 $0xFFFFC180  }
0x27: {  	[spmem:s2] =	stream.indirect.scatter.add.f32 [tilespmem:s18], [sflag:$0x5], $0x80, s16, s17, $0xb8;
	[tilespmem:$0x1E500] =	vst v63  }
0x28: {  	s28 =	sor.u32 s28, s29;
	_ =	swait.ge [sflag:s15], $0x3E80  }
0x29: {  	s28 =	sshrl.u32 s28, $0x3;
	[sflag:s15] =	ssyncset.done $0x0  }
0x2a: {  	s28 =	sadd.s32 s6, s28;
	[sflag:s15] =	ssyncadd.s32 $0xFFFFC180  }
0x2b: {  	[tilespmem:s16], [sflag:$0x1] =	stream.linear.gather [hbm4b:s28+s3], $0x80, $0x38;
	[tilespmem:$0x1E500] =	vst v63  }
0x2c: {  	s28 =	simm.s32 $0x100  }
0x2d: {  	[tilespmem:s18], [sflag:$0x3] =	stream.indirect.gather [hbm4b:s5+s17], $0x80, s28, s17, $0xb8;
	[tilespmem:$0x1E500] =	vst v63  }
0x2e: {  	_ =	swait.ge [sflag:s24], $0x80  }
0x2f: {  	[sflag:s24] =	ssyncset.done $0x0  }
0x30: {  	[sflag:s24] =	ssyncadd.s32 $0xFFFFFF80  }
0x31: {  	s28 =	simm.s32 $0x180;
	_ =	swait.ge [sflag:s25], $0x3E80  }
0x32: {  	s29 =	sand.u32 $0x7C00, s28;
	[sflag:s25] =	ssyncset.done $0x0  }
0x33: {  	s28 =	sand.u32 $0x380, s28;
	s29 =	sadd.s32 s4, s29;
	[sflag:s25] =	ssyncadd.s32 $0xFFFFC180  }
0x34: {  	[spmem:s2] =	stream.indirect.scatter.add.f32 [tilespmem:s21], [sflag:$0x5], $0x80, s19, s17, $0xb8;
	[tilespmem:$0x1E500] =	vst v63  }
0x35: {  	s28 =	sor.u32 s28, s29;
	_ =	swait.ge [sflag:s15], $0x3E80  }
0x36: {  	s28 =	sshrl.u32 s28, $0x3;
	[sflag:s15] =	ssyncset.done $0x0  }
0x37: {  	s28 =	sadd.s32 s6, s28;
	[sflag:s15] =	ssyncadd.s32 $0xFFFFC180  }
0x38: {  	[tilespmem:s19], [sflag:$0x2] =	stream.linear.gather [hbm4b:s28+s3], $0x80, $0x38;
	[tilespmem:$0x1E500] =	vst v63  }
0x39: {  	s30 =	simm.s32 $0x200;
	s29 =	simm.s32 $0x180;
	s28 =	simm.s32 $0x280  }
.LBB2_2:
0x3a: {  	s31 =	sadd.s32 $0x80, s30  }
0x3b: {  	p0 =	sne.s32 s28, $0x2780;
	s1 =	smov.u32 s28;
	s28 =	sadd.s32 $0x100, s28  }
0x3c: {  	[tilespmem:s21], [sflag:$0x4] =	stream.indirect.gather [hbm4b:s5+s17], $0x80, s29, s17, $0xb8;
	[tilespmem:$0x1E500] =	vst v63  }
0x3d: {  	s29 =	smov.u32 s31;
	_ =	swait.ge [sflag:s22], $0x80  }
0x3e: {  	[sflag:s22] =	ssyncset.done $0x0  }
0x3f: {  	[sflag:s22] =	ssyncadd.s32 $0xFFFFFF80  }
0x40: {  	_ =	swait.ge [sflag:s23], $0x3E80  }
0x41: {  	s31 =	sadd.s32 $0xFFFFFF80, s1;
	[sflag:s23] =	ssyncset.done $0x0  }
0x42: {  	s0 =	sand.u32 $0x7C00, s31;
	s31 =	sand.u32 $0x300, s31;
	[sflag:s23] =	ssyncadd.s32 $0xFFFFC180  }
0x43: {  	[spmem:s2] =	stream.indirect.scatter.add.f32 [tilespmem:s18], [sflag:$0x5], $0x80, s16, s17, $0xb8;
	[tilespmem:$0x1E500] =	vst v63  }
0x44: {  	s0 =	sadd.s32 s4, s0;
	_ =	swait.ge [sflag:s15], $0x3E80  }
0x45: {  	s0 =	sor.u32 s31, s0;
	[sflag:s15] =	ssyncset.done $0x0  }
0x46: {  	s0 =	sshrl.u32 s0, $0x3;
	[sflag:s15] =	ssyncadd.s32 $0xFFFFC180  }
0x47: {  	s0 =	sadd.s32 s6, s0  }
0x48: {  	[tilespmem:s16], [sflag:$0x1] =	stream.linear.gather [hbm4b:s0+s3], $0x80, $0x38;
	[tilespmem:$0x1E500] =	vst v63  }
0x49: {  	_ = 	snop  }
0x4a: {  	[tilespmem:s18], [sflag:$0x3] =	stream.indirect.gather [hbm4b:s5+s17], $0x80, s30, s17, $0xb8;
	[tilespmem:$0x1E500] =	vst v63  }
0x4b: {  	_ =	swait.ge [sflag:s24], $0x80  }
0x4c: {  	[sflag:s24] =	ssyncset.done $0x0  }
0x4d: {  	[sflag:s24] =	ssyncadd.s32 $0xFFFFFF80  }
0x4e: {  	_ =	swait.ge [sflag:s25], $0x3E80  }
0x4f: {  	s0 =	sand.u32 $0x7C00, s1;
	[sflag:s25] =	ssyncset.done $0x0  }
0x50: {  	s1 =	sand.u32 $0x380, s1;
	s0 =	sadd.s32 s4, s0;
	[sflag:s25] =	ssyncadd.s32 $0xFFFFC180  }
0x51: {  	[spmem:s2] =	stream.indirect.scatter.add.f32 [tilespmem:s21], [sflag:$0x5], $0x80, s19, s17, $0xb8;
	[tilespmem:$0x1E500] =	vst v63  }
.Ltmp0:
0x52: {  	_ = 	snop;
	(pc) =	sbr.rel @p0 .LBB2_2-.Ltmp0, $4  }
0x53: {  	s0 =	sor.u32 s1, s0;
	_ =	swait.ge [sflag:s15], $0x3E80  }
0x54: {  	s0 =	sshrl.u32 s0, $0x3;
	[sflag:s15] =	ssyncset.done $0x0  }
0x55: {  	s30 =	sadd.s32 $0x100, s30;
	s0 =	sadd.s32 s6, s0;
	[sflag:s15] =	ssyncadd.s32 $0xFFFFC180  }
0x56: {  	[tilespmem:s19], [sflag:$0x2] =	stream.linear.gather [hbm4b:s0+s3], $0x80, $0x38;
	[tilespmem:$0x1E500] =	vst v63  }
0x57: {  	[tilespmem:s21], [sflag:$0x4] =	stream.indirect.gather [hbm4b:s5+s17], $0x80, s29, s17, $0xb8;
	[tilespmem:$0x1E500] =	vst v63  }
0x58: {  	_ =	swait.ge [sflag:s22], $0x80  }
0x59: {  	[sflag:s22] =	ssyncset.done $0x0  }
0x5a: {  	[sflag:s22] =	ssyncadd.s32 $0xFFFFFF80  }
0x5b: {  	_ =	swait.ge [sflag:s23], $0x3E80  }
0x5c: {  	[sflag:s23] =	ssyncset.done $0x0  }
0x5d: {  	[sflag:s23] =	ssyncadd.s32 $0xFFFFC180  }
0x5e: {  	[spmem:s2] =	stream.indirect.scatter.add.f32 [tilespmem:s18], [sflag:$0x5], $0x80, s16, s17, $0xb8;
	[tilespmem:$0x1E500] =	vst v63  }
0x5f: {  	_ =	swait.ge [sflag:s15], $0x3E80  }
0x60: {  	[sflag:s15] =	ssyncset.done $0x0  }
0x61: {  	[sflag:s15] =	ssyncadd.s32 $0xFFFFC180  }
0x62: {  	_ =	swait.ge [sflag:s24], $0x80  }
0x63: {  	[sflag:s24] =	ssyncset.done $0x0  }
0x64: {  	[sflag:s24] =	ssyncadd.s32 $0xFFFFFF80  }
0x65: {  	_ =	swait.ge [sflag:s25], $0x3E80  }
0x66: {  	[sflag:s25] =	ssyncset.done $0x0  }
0x67: {  	[sflag:s25] =	ssyncadd.s32 $0xFFFFC180  }
0x68: {  	[spmem:s2] =	stream.indirect.scatter.add.f32 [tilespmem:s21], [sflag:$0x5], $0x80, s19, s17, $0xb8;
	[tilespmem:$0x1E500] =	vst v63  }
0x69: {  	_ =	swait.ge [sflag:s15], $0x3E80  }
0x6a: {  	s26 =	sadd.s32 $0x1, s26;
	[sflag:s15] =	ssyncset.done $0x0  }
0x6b: {  	p0 =	sne.s32 s26, s13;
	[sflag:s15] =	ssyncadd.s32 $0xFFFFC180  }
.Ltmp1:
0x6c: {  	[bflag:$0x0] =	sbarrier.arrive $0xFFFF;
	(pc) =	sbr.rel @p0 .LBB2_1-.Ltmp1, $4  }
0x6d: {  	[hbm:s12], [sflag:s9] =	dma.local [spmem:s14], $0x2780  }
0x6e: {  	_ =	swait.ge [sflag:s15], $0x2780  }
0x6f: {  	[sflag:s15] =	ssyncset.done $0x0  }
0x70: {  	[sflag:s15] =	ssyncadd.s32 $0xFFFFD880  }
0x71: {  	_ =	sfence.sel $0x180000  }
0x72: {  	[bflag:$0x0] =	sbarrier.arrive $0xFFFF  }
0x73: {  	_ =	strace $0x9000004D  }
0x74: {  	s0 =	stileid.u32;
	[bflag:$0x2] =	sbarrier.arrive $0xFFFF  }
0x75: {  	p0 =	sne.s32 s0, $0x0;
	s0 =	rddreg [dreg:$0x2]  }
0x76: {  	s0 =	sadd.s32 @!p0 $0x100000, s0  }
0x77: {  	[sflag:s0] =	ssyncadd.tile.s32 @!p0 $0x1;
	_ =	shalt  }
.Lfunc_end2:
_tile_overlayer_lowered:
.L_overlay_start_2:
0x78: {  	(tag) =	ssettag $0x2  }
0x79: {  	s0 =	rddreg [dreg:$0x0];
	s2 =	stileid.u32  }
0x7a: {  	s1 =	rddreg [dreg:$0x1];
	p0 =	sne.s32 s2, $0x0  }
0x7b: {  	s3 =	rddreg [dreg:$0x2];
	[bflag:$0x3] =	sbarrier.arrive $0xFFFF;
	s2 =	simm.s32 @!p0 $0x1C05  }
0x7c: {  	[timem:s3], [sflag:s2] =	dma.local @!p0 [hbm:s0], s1  }
0x7d: {  	s0 =	simm.s32 @!p0 $0x5  }
0x7e: {  	_ =	swait.ge @!p0 [sflag:s0], s1  }
0x7f: {  	s1 =	ssub.s32 @!p0 $0x0, s1;
	[sflag:s0] =	ssyncset.done @!p0 $0x0  }
0x80: {  	[sflag:s0] =	ssyncadd.s32 @!p0 s1  }
0x81: {  	[bflag:$0x3] =	sbarrier.arrive $0xFFFF  }
0x82: {  	_ =	shalt  }

// kernel: kernel.19.cloned.1.call-start
scs
__scs_entry_jumppad:
0x0: {  	(pc) =	sbr.rel $0x88, $3  }
0x1: {  	(tag) =	ssettag $0x0;
	lr =	simm.s32 $0x1  }
0x2: {  	[smem:$0x3F96] =	sst lr;
	_ =	strace $0xD0000000  }
0x3: {  	_ = 	snop  }
0x4: {  	_ = 	snop  }
0x5: {  	_ = 	snop  }
0x6: {  	_ = 	snop  }
0x7: {  	_ = 	snop  }
__scs_overlays_trampoline_lowered:
0x8: {  	[smem:$0x3FA5] =	sst s0  }
0x9: {  	[smem:$0x3FA6] =	sst s1  }
0xa: {  	[smem:$0x3FA7] =	sst s2  }
0xb: {  	[smem:$0x3FA8] =	sst s3  }
0xc: {  	[smem:$0x3FA9] =	sst s4  }
0xd: {  	[smem:$0x3FAA] =	sst s5  }
0xe: {  	[smem:$0x3FAB] =	sst s6  }
0xf: {  	[smem:$0x3FAC] =	sst s7  }
0x10: {  	[smem:$0x3FAD] =	sst s8  }
0x11: {  	[smem:$0x3FAE] =	sst s9;
	s0 =	simm.s32 @!p0 $0x0  }
0x12: {  	s1 =	sld [smem:$0x3F94];
	s0 =	simm.s32 @p0 $0x1  }
0x13: {  	[smem:$0x3FAF] =	sst s0;
	s0 =	simm.s32 @!p1 $0x0  }
0x14: {  	s2 =	sld [smem:$0x3F93];
	s0 =	simm.s32 @p1 $0x1  }
0x15: {  	[smem:$0x3FB0] =	sst s0;
	s0 =	simm.s32 @!p2 $0x0  }
0x16: {  	s3 =	sld [smem:$0x3FDB];
	s0 =	simm.s32 @p2 $0x1  }
0x17: {  	s4 =	simm.s32 $0x1BF5;
	[smem:$0x3FB2] =	sst s0  }
0x18: {  	s0 =	sld [smem:$0x3F95];
	_ =	swait.ge [sflag:s4], $0x0  }
0x19: {  	s7 =	sld [smem:$0x3F96]  }
0x1a: {  	s8 =	sadd.s32 $0xFFFFE003, lr  }
0x1b: {  	s9 =	sadd.s32 $0xFFFFFEF7, lr;
	s5 =	simm.s32 $0xFFFFFFFF;
	p2 =	slt.u32 s8, $0xFFFFF086  }
0x1c: {  	p1 =	slt.u32 s9, $0xF7A;
	s5 =	simm.s32 @!p2 $0x0  }
0x1d: {  	s5 =	simm.s32 @p1 $0x1;
	p0 =	seq.s32 s7, s2  }
0x1e: {  	s7 =	smul.u32 @!p0 $0xF7A, s2;
	p2 =	seq.s32 @!p0 s5, $0x0  }
0x1f: {  	s9 =	smul.u32 $0xF7A, s1;
	s8 =	simm.s32 @!p0 $0x1BF5;
	p2 =	por !p2, p0  }
0x20: {  	[sflag:s8] =	ssyncset.s32 @!p0 $0xFFFFF086;
	s6 =	sadd.s32 @!p0 s3, s7;
	s7 =	simm.s32 @!p0 $0x108  }
0x21: {  	s3 =	sadd.s32 s3, s9;
	s6 =	sadd.s32 @!p0 $0x88, s6;
	s7 =	simm.s32 @p2 $0x1082  }
0x22: {  	[simem:s7], [sflag:s8] =	dma.local @!p0 [hbm:s6], $0xF7A  }
0x23: {  	s9 =	sor.u32 $0xD0000000, s2;
	s6 =	simm.s32 $0x108;
	_ =	swait.ge @!p0 [sflag:s8], $0x0  }
0x24: {  	s3 =	sadd.s32 $0x88, s3;
	s6 =	simm.s32 @!p1 $0x1082;
	[sflag:s4] =	ssyncset.s32 $0xFFFFF086  }
0x25: {  	[simem:s6], [sflag:s4] =	dma.local [hbm:s3], $0xF7A  }
0x26: {  	[smem:$0x3F96] =	sst s1;
	(tag) =	ssettag s2;
	_ =	strace s9  }
0x27: {  	s1 =	sld [smem:$0x3FA6]  }
0x28: {  	s2 =	sld [smem:$0x3FA7]  }
0x29: {  	s4 =	sld [smem:$0x3FA9]  }
0x2a: {  	p0 =	seq.s32 s5, $0x0;
	s5 =	sld [smem:$0x3FAA]  }
0x2b: {  	s6 =	sld [smem:$0x3FAB]  }
0x2c: {  	s7 =	sld [smem:$0x3FAC]  }
0x2d: {  	s3 =	simm.s32 $0x108;
	s8 =	sld [smem:$0x3FAD]  }
0x2e: {  	s3 =	simm.s32 @!p0 $0x1082;
	s9 =	sld [smem:$0x3FAE]  }
0x2f: {  	lr =	sadd.s32 s0, s3;
	s0 =	sld [smem:$0x3FA5]  }
0x30: {  	s3 =	sld [smem:$0x3FA8]  }
0x31: {  	[smem:$0x3FB1] =	sst s10  }
0x32: {  	s10 =	sld [smem:$0x3FAF];
	_ =	sdelay $0x3  }
0x33: {  	p0 =	seq.s32 s10, $0x1;
	s10 =	sld [smem:$0x3FB1];
	_ =	sdelay $0x3  }
0x34: {  	[smem:$0x3FB1] =	sst s10  }
0x35: {  	s10 =	sld [smem:$0x3FB0];
	_ =	sdelay $0x3  }
0x36: {  	p1 =	seq.s32 s10, $0x1;
	s10 =	sld [smem:$0x3FB1];
	_ =	sdelay $0x3  }
0x37: {  	[smem:$0x3FB1] =	sst s10  }
0x38: {  	s10 =	sld [smem:$0x3FB2]  }
0x39: {  	_ = 	snop;
	(pc) =	sbr.ind lr, $3  }
0x3a: {  	_ = 	snop  }
0x3b: {  	_ = 	snop  }
0x3c: {  	p2 =	seq.s32 s10, $0x1;
	s10 =	sld [smem:$0x3FB1]  }
0x3d: {  	_ =	shalt  }
0x3e: {  	_ =	shalt  }
0x3f: {  	_ =	shalt  }
0x40: {  	_ =	shalt  }
0x41: {  	_ =	shalt  }
0x42: {  	_ =	shalt  }
0x43: {  	_ =	shalt  }
0x44: {  	_ =	shalt  }
0x45: {  	_ =	shalt  }
0x46: {  	_ =	shalt  }
0x47: {  	_ =	shalt  }
0x48: {  	_ =	shalt  }
0x49: {  	_ =	shalt  }
0x4a: {  	_ =	shalt  }
0x4b: {  	_ =	shalt  }
0x4c: {  	_ =	shalt  }
0x4d: {  	_ =	shalt  }
0x4e: {  	_ =	shalt  }
0x4f: {  	_ =	shalt  }
0x50: {  	_ =	shalt  }
0x51: {  	_ =	shalt  }
0x52: {  	_ =	shalt  }
0x53: {  	_ =	shalt  }
0x54: {  	_ =	shalt  }
0x55: {  	_ =	shalt  }
0x56: {  	_ =	shalt  }
0x57: {  	_ =	shalt  }
0x58: {  	_ =	shalt  }
0x59: {  	_ =	shalt  }
0x5a: {  	_ =	shalt  }
0x5b: {  	_ =	shalt  }
0x5c: {  	_ =	shalt  }
0x5d: {  	_ =	shalt  }
0x5e: {  	_ =	shalt  }
0x5f: {  	_ =	shalt  }
0x60: {  	_ =	shalt  }
0x61: {  	_ =	shalt  }
0x62: {  	_ =	shalt  }
0x63: {  	_ =	shalt  }
0x64: {  	_ =	shalt  }
0x65: {  	_ =	shalt  }
0x66: {  	_ =	shalt  }
0x67: {  	_ =	shalt  }
0x68: {  	_ =	shalt  }
0x69: {  	_ =	shalt  }
0x6a: {  	_ =	shalt  }
0x6b: {  	_ =	shalt  }
0x6c: {  	_ =	shalt  }
0x6d: {  	_ =	shalt  }
0x6e: {  	_ =	shalt  }
0x6f: {  	_ =	shalt  }
0x70: {  	_ =	shalt  }
0x71: {  	_ =	shalt  }
0x72: {  	_ =	shalt  }
0x73: {  	_ =	shalt  }
0x74: {  	_ =	shalt  }
0x75: {  	_ =	shalt  }
0x76: {  	_ =	shalt  }
0x77: {  	_ =	shalt  }
0x78: {  	_ =	shalt  }
0x79: {  	_ =	shalt  }
0x7a: {  	_ =	shalt  }
0x7b: {  	_ =	shalt  }
0x7c: {  	_ =	shalt  }
0x7d: {  	_ =	shalt  }
0x7e: {  	_ =	shalt  }
0x7f: {  	_ =	shalt  }
0x80: {  	_ =	shalt  }
0x81: {  	_ =	shalt  }
0x82: {  	_ =	shalt  }
0x83: {  	_ =	shalt  }
0x84: {  	_ =	shalt  }
0x85: {  	_ =	shalt  }
0x86: {  	_ =	shalt  }
0x87: {  	_ =	shalt  }
.Lfunc_end0:
.L_simem_size_0:
called_computation.3_lowered:
.L_overlay_start_0:
0x88: {  	s2 =	sld [smem:$0x3FD9]  }
0x89: {  	s3 =	sld [smem:$0x3FFE];
	_ =	sdelay $0x1  }
0x8a: {  	s1 =	srdreg.scid  }
0x8b: {  	s0 =	sand.u32 $0x1, s1  }
0x8c: {  	s16 =	sshll.u32 s0, $0xA;
	s2 =	sadd.s32 s3, s2  }
0x8d: {  	s2 =	sadd.s32 s2, s16  }
0x8e: {  	[smem:$0x3FBD] =	sst s2  }
0x8f: {  	_ = 	snop  }
0x90: {  	(tm) =	ssettm $0x1  }
0x91: {  	s17 =	sld [smem:$0x3FFB];
	_ =	sdelay $0x3  }
0x92: {  	_ =	strace s17  }
0x93: {  	s2 =	sld [smem:$0x3FFC];
	_ =	sdelay $0x3  }
0x94: {  	_ =	strace s2  }
0x95: {  	s2 =	sld [smem:$0x3FFD];
	_ =	sdelay $0x3  }
0x96: {  	_ =	strace s2  }
0x97: {  	_ =	strace $0x8FFFFFFF  }
0x98: {  	s18 =	sld [smem:$0x3FDB];
	_ =	sdelay $0x1  }
0x99: {  	s19 =	simm.s32 $_scs_section_size  }
0x9a: {  	s4 =	simm.s32 $_size__tile_overlayer_lowered;
	s5 =	simm.s32 $_tile_overlayer_lowered  }
0x9b: {  	s22 =	simm.s32 $0x1BFF;
	s21 =	sshll.u32 s5, $0x1;
	s2 =	sadd.s32 s19, s18  }
0x9c: {  	s6 =	simm.s32 $0x0;
	s20 =	sshll.u32 s4, $0x1;
	s4 =	sadd.s32 s21, s2  }
0x9d: {  	[timem:s6], [sflag:s22] =	dma.local [hbm:s4], s20  }
0x9e: {  	_ =	swait.ge [sflag:s22], s20  }
0x9f: {  	s3 =	ssub.s32 $0x0, s20;
	[sflag:s22] =	ssyncset.done $0x0  }
0xa0: {  	[sflag:s22] =	ssyncadd.s32 s3;
	_ =	sdelay $0x1  }
0xa1: {  	s23 =	simm.s32 $0x1B8B  }
0xa2: {  	_ =	swait.ge [sflag:s23], $0x1  }
0xa3: {  	[sflag:s23] =	ssyncset.done $0x0  }
0xa4: {  	s25 =	simm.s32 $0x1B8E;
	s24 =	sld [smem:$0x3FFE];
	[sflag:s23] =	ssyncadd.s32 $0xFFFFFFFF  }
0xa5: {  	s26 =	simm.s32 $execute0_lowered;
	[smem:$0x3FD2] =	sst s25  }
0xa6: {  	s4 =	sshll.u32 s26, $0x1;
	_ =	strace $0x8000004F;
	[dreg:$0x1] =	wrdreg $0xFFFFFFFF  }
0xa7: {  	s28 =	simm.s32 $_size_execute0_lowered;
	s2 =	sadd.s32 s2, s4;
	[dreg:$0x0] =	wrdreg $0x0  }
0xa8: {  	s4 =	sshll.u32 s28, $0x1;
	[dreg:$0x2] =	wrdreg s2  }
0xa9: {  	[dreg:$0x3] =	wrdreg s4  }
0xaa: {  	[dreg:$0x4] =	wrdreg $0xC0  }
0xab: {  	_ =	task [dreg:s6], $0x5FFFF  }
0xac: {  	[dreg:$0x1] =	wrdreg $0xFFFFFFFF  }
0xad: {  	[dreg:$0x0] =	wrdreg $0x60  }
0xae: {  	[dreg:$0x2] =	wrdreg s24  }
0xaf: {  	[dreg:$0x3] =	wrdreg $0xA9000  }
0xb0: {  	[dreg:$0x4] =	wrdreg $0x9  }
0xb1: {  	_ =	task.clear_ibuf [dreg:s6], $0x5FFFF;
	_ =	strace $0x9000004F  }
0xb2: {  	s29 =	simm.s32 $0x9;
	_ =	strace $0x80000051  }
0xb3: {  	_ =	swait.ge [sflag:s29], $0x1  }
0xb4: {  	[sflag:s29] =	ssyncadd.s32 $0xFFFFFFFF  }
0xb5: {  	_ =	strace $0x90000051  }
0xb6: {  	_ =	sfence  }
0xb7: {  	s30 =	sld [smem:$0x0];
	_ =	sdelay $0x2  }
0xb8: {  	s31 =	sshll.u32 s1, $0xD;
	s1 =	sshrl.u32 s1, $0x2  }
0xb9: {  	s3 =	sand.u32 $0x4000, s31;
	s1 =	sadd.s32 s1, s30  }
0xba: {  	s0 =	sor.u32 s3, s0;
	s1 =	sshll.u32 s1, $0x11  }
0xbb: {  	s0 =	sor.u32 s1, s0  }
0xbc: {  	s0 =	sadd.s32 $0x8F2B, s0  }
0xbd: {  	[sflag:s0] =	ssyncadd.remote.s32 $0x1  }
0xbe: {  	_ =	sfence.sel $0xFFFF  }
0xbf: {  	[dreg:$0x0] =	wrdreg $0xFFFFFFFF;
	(pc) =	sbr.abs _section_cstart, $3  }
0xc0: {  	[dreg:$0x1] =	wrdreg $0xFFFFFFFF  }
0xc1: {  	_ =	task.clear_ibuf [dreg:s6], $0x2FFFF;
	_ =	strace $0x9FFFFFFF  }
0xc2: {  	(tm) =	ssettm $0x7FFFFFFF  }
0xc3: {  	_ =	shalt  }
tec
execute0_lowered:
.L_overlay_start_1:
0x0: {  	(tag) =	ssettag $0x1  }
0x1: {  	s1 =	srdreg.scid;
	s8 =	rddreg [dreg:$0x0]  }
0x2: {  	s0 =	stileid.u32;
	s2 =	rddreg [dreg:$0x1];
	s3 =	simm.s32 $0x0  }
0x3: {  	s17 =	simm.s32 $0x7D;
	s18 =	simm.s32 $0x2900;
	s19 =	simm.s32 $0x2880  }
0x4: {  	s20 =	simm.s32 $0x80;
	s21 =	simm.s32 $0x6900;
	s22 =	simm.s32 $0x1  }
0x5: {  	s23 =	simm.s32 $0x3;
	s24 =	simm.s32 $0x2;
	s25 =	simm.s32 $0x4  }
0x6: {  	s26 =	simm.s32 $0x0;
	s7 =	sand.u32 $0x1, s1;
	s28 =	sshll.u32 s0, $0x1  }
0x7: {  	[smem:$0x7FF] =	sst s3;
	s11 =	smul.u32 $0x13C00, s0;
	s5 =	sadd.s32 $0x26800, s8  }
0x8: {  	s6 =	sadd.s32 $0x3200, s8;
	s13 =	smul.u32 $0x4F000, s0;
	s31 =	sshll.u32 s0, $0x6  }
0x9: {  	s4 =	sor.u32 s7, s28;
	s9 =	smul.u32 $0x13C000, s7;
	_ =	strace $0x80000050  }
0xa: {  	s29 =	ssub.s32 $0x2, s7;
	s7 =	sadd.s32 $0xD200, s8;
	s4 =	smul.u32 $0x2800, s4  }
0xb: {  	s14 =	sshrl.u32 s29, $0x1;
	s30 =	sshrl.u32 s13, $0x2;
	s9 =	sadd.s32 s11, s9  }
0xc: {  	s14 =	ssub.s32 s29, s14;
	s16 =	sadd.s32 s30, s2;
	s10 =	sshrl.u32 s4, $0x3  }
0xd: {  	s9 =	sshrl.u32 s9, $0x3;
	s13 =	smax.u32 s14, $0x1;
	s14 =	sshrl.u32 s16, $0x3  }
0xe: {  	s16 =	simm.s32 $0x2800;
	s12 =	sadd.s32 s10, s8;
	s15 =	sadd.s32 s9, s8  }
0xf: {  	s8 =	sadd.s32 s6, s10;
	s9 =	sor.u32 $0x1C05, s31;
	s10 =	sadd.s32 $0x1C800, s12  }
0x10: {  	s11 =	sadd.s32 $0x10, s8;
	s12 =	sadd.s32 $0x4DA00, s15;
	s15 =	simm.s32 $0x5  }
.LBB2_1:
0x11: {  	[spmem:s14], [sflag:s9] =	dma.local [hbm:s7], $0x2780  }
0x12: {  	_ =	swait.ge [sflag:s15], $0x2780  }
0x13: {  	[sflag:s15] =	ssyncset.done $0x0  }
0x14: {  	[sflag:s15] =	ssyncadd.s32 $0xFFFFD880  }
0x15: {  	[tilespmem:s3], [sflag:$0x5] =	stream.linear.gather [hbm4b:s10+s3], $0x2800, $0x38;
	[tilespmem:$0x1E500] =	vst v63  }
0x16: {  	_ =	swait.ge [sflag:s15], $0x2800  }
0x17: {  	[sflag:s15] =	ssyncset.done $0x0  }
0x18: {  	[sflag:s15] =	ssyncadd.s32 $0xFFFFD800  }
0x19: {  	[bflag:$0x0] =	sbarrier.arrive $0xFFFF  }
0x1a: {  	[tilespmem:s16], [sflag:$0x1] =	stream.linear.gather [hbm4b:s8+s3], $0x80, $0x38;
	[tilespmem:$0x1E500] =	vst v63  }
0x1b: {  	_ = 	snop  }
0x1c: {  	[tilespmem:s18], [sflag:$0x3] =	stream.indirect.gather [hbm4b:s5+s17], $0x80, s3, s17, $0xb8;
	[tilespmem:$0x1E500] =	vst v63  }
0x1d: {  	_ = 	snop  }
0x1e: {  	[tilespmem:s19], [sflag:$0x2] =	stream.linear.gather [hbm4b:s11+s3], $0x80, $0x38;
	[tilespmem:$0x1E500] =	vst v63  }
0x1f: {  	_ = 	snop  }
0x20: {  	[tilespmem:s21], [sflag:$0x4] =	stream.indirect.gather [hbm4b:s5+s17], $0x80, s20, s17, $0xb8;
	[tilespmem:$0x1E500] =	vst v63  }
0x21: {  	_ =	swait.ge [sflag:s22], $0x80  }
0x22: {  	[sflag:s22] =	ssyncset.done $0x0  }
0x23: {  	[sflag:s22] =	ssyncadd.s32 $0xFFFFFF80  }
0x24: {  	s28 =	simm.s32 $0x100;
	_ =	swait.ge [sflag:s23], $0x3E80  }
0x25: {  	s29 =	sand.u32 $0x7C00, s28;
	[sflag:s23] =	ssyncset.done $0x0  }
0x26: {  	s28 =	sand.u32 $0x300, s28;
	s29 =	sadd.s32 s4, s29;
	[sflag:s23] =	ssyncadd.s32 $0xFFFFC180  }
0x27: {  	[spmem:s2] =	stream.indirect.scatter.add.f32 [tilespmem:s18], [sflag:$0x5], $0x80, s16, s17, $0xb8;
	[tilespmem:$0x1E500] =	vst v63  }
0x28: {  	s28 =	sor.u32 s28, s29;
	_ =	swait.ge [sflag:s15], $0x3E80  }
0x29: {  	s28 =	sshrl.u32 s28, $0x3;
	[sflag:s15] =	ssyncset.done $0x0  }
0x2a: {  	s28 =	sadd.s32 s6, s28;
	[sflag:s15] =	ssyncadd.s32 $0xFFFFC180  }
0x2b: {  	[tilespmem:s16], [sflag:$0x1] =	stream.linear.gather [hbm4b:s28+s3], $0x80, $0x38;
	[tilespmem:$0x1E500] =	vst v63  }
0x2c: {  	s28 =	simm.s32 $0x100  }
0x2d: {  	[tilespmem:s18], [sflag:$0x3] =	stream.indirect.gather [hbm4b:s5+s17], $0x80, s28, s17, $0xb8;
	[tilespmem:$0x1E500] =	vst v63  }
0x2e: {  	_ =	swait.ge [sflag:s24], $0x80  }
0x2f: {  	[sflag:s24] =	ssyncset.done $0x0  }
0x30: {  	[sflag:s24] =	ssyncadd.s32 $0xFFFFFF80  }
0x31: {  	s28 =	simm.s32 $0x180;
	_ =	swait.ge [sflag:s25], $0x3E80  }
0x32: {  	s29 =	sand.u32 $0x7C00, s28;
	[sflag:s25] =	ssyncset.done $0x0  }
0x33: {  	s28 =	sand.u32 $0x380, s28;
	s29 =	sadd.s32 s4, s29;
	[sflag:s25] =	ssyncadd.s32 $0xFFFFC180  }
0x34: {  	[spmem:s2] =	stream.indirect.scatter.add.f32 [tilespmem:s21], [sflag:$0x5], $0x80, s19, s17, $0xb8;
	[tilespmem:$0x1E500] =	vst v63  }
0x35: {  	s28 =	sor.u32 s28, s29;
	_ =	swait.ge [sflag:s15], $0x3E80  }
0x36: {  	s28 =	sshrl.u32 s28, $0x3;
	[sflag:s15] =	ssyncset.done $0x0  }
0x37: {  	s28 =	sadd.s32 s6, s28;
	[sflag:s15] =	ssyncadd.s32 $0xFFFFC180  }
0x38: {  	[tilespmem:s19], [sflag:$0x2] =	stream.linear.gather [hbm4b:s28+s3], $0x80, $0x38;
	[tilespmem:$0x1E500] =	vst v63  }
0x39: {  	s30 =	simm.s32 $0x200;
	s29 =	simm.s32 $0x180;
	s28 =	simm.s32 $0x280  }
.LBB2_2:
0x3a: {  	s31 =	sadd.s32 $0x80, s30  }
0x3b: {  	p0 =	sne.s32 s28, $0x2780;
	s1 =	smov.u32 s28;
	s28 =	sadd.s32 $0x100, s28  }
0x3c: {  	[tilespmem:s21], [sflag:$0x4] =	stream.indirect.gather [hbm4b:s5+s17], $0x80, s29, s17, $0xb8;
	[tilespmem:$0x1E500] =	vst v63  }
0x3d: {  	s29 =	smov.u32 s31;
	_ =	swait.ge [sflag:s22], $0x80  }
0x3e: {  	[sflag:s22] =	ssyncset.done $0x0  }
0x3f: {  	[sflag:s22] =	ssyncadd.s32 $0xFFFFFF80  }
0x40: {  	_ =	swait.ge [sflag:s23], $0x3E80  }
0x41: {  	s31 =	sadd.s32 $0xFFFFFF80, s1;
	[sflag:s23] =	ssyncset.done $0x0  }
0x42: {  	s0 =	sand.u32 $0x7C00, s31;
	s31 =	sand.u32 $0x300, s31;
	[sflag:s23] =	ssyncadd.s32 $0xFFFFC180  }
0x43: {  	[spmem:s2] =	stream.indirect.scatter.add.f32 [tilespmem:s18], [sflag:$0x5], $0x80, s16, s17, $0xb8;
	[tilespmem:$0x1E500] =	vst v63  }
0x44: {  	s0 =	sadd.s32 s4, s0;
	_ =	swait.ge [sflag:s15], $0x3E80  }
0x45: {  	s0 =	sor.u32 s31, s0;
	[sflag:s15] =	ssyncset.done $0x0  }
0x46: {  	s0 =	sshrl.u32 s0, $0x3;
	[sflag:s15] =	ssyncadd.s32 $0xFFFFC180  }
0x47: {  	s0 =	sadd.s32 s6, s0  }
0x48: {  	[tilespmem:s16], [sflag:$0x1] =	stream.linear.gather [hbm4b:s0+s3], $0x80, $0x38;
	[tilespmem:$0x1E500] =	vst v63  }
0x49: {  	_ = 	snop  }
0x4a: {  	[tilespmem:s18], [sflag:$0x3] =	stream.indirect.gather [hbm4b:s5+s17], $0x80, s30, s17, $0xb8;
	[tilespmem:$0x1E500] =	vst v63  }
0x4b: {  	_ =	swait.ge [sflag:s24], $0x80  }
0x4c: {  	[sflag:s24] =	ssyncset.done $0x0  }
0x4d: {  	[sflag:s24] =	ssyncadd.s32 $0xFFFFFF80  }
0x4e: {  	_ =	swait.ge [sflag:s25], $0x3E80  }
0x4f: {  	s0 =	sand.u32 $0x7C00, s1;
	[sflag:s25] =	ssyncset.done $0x0  }
0x50: {  	s1 =	sand.u32 $0x380, s1;
	s0 =	sadd.s32 s4, s0;
	[sflag:s25] =	ssyncadd.s32 $0xFFFFC180  }
0x51: {  	[spmem:s2] =	stream.indirect.scatter.add.f32 [tilespmem:s21], [sflag:$0x5], $0x80, s19, s17, $0xb8;
	[tilespmem:$0x1E500] =	vst v63  }
.Ltmp0:
0x52: {  	_ = 	snop;
	(pc) =	sbr.rel @p0 .LBB2_2-.Ltmp0, $4  }
0x53: {  	s0 =	sor.u32 s1, s0;
	_ =	swait.ge [sflag:s15], $0x3E80  }
0x54: {  	s0 =	sshrl.u32 s0, $0x3;
	[sflag:s15] =	ssyncset.done $0x0  }
0x55: {  	s30 =	sadd.s32 $0x100, s30;
	s0 =	sadd.s32 s6, s0;
	[sflag:s15] =	ssyncadd.s32 $0xFFFFC180  }
0x56: {  	[tilespmem:s19], [sflag:$0x2] =	stream.linear.gather [hbm4b:s0+s3], $0x80, $0x38;
	[tilespmem:$0x1E500] =	vst v63  }
0x57: {  	[tilespmem:s21], [sflag:$0x4] =	stream.indirect.gather [hbm4b:s5+s17], $0x80, s29, s17, $0xb8;
	[tilespmem:$0x1E500] =	vst v63  }
0x58: {  	_ =	swait.ge [sflag:s22], $0x80  }
0x59: {  	[sflag:s22] =	ssyncset.done $0x0  }
0x5a: {  	[sflag:s22] =	ssyncadd.s32 $0xFFFFFF80  }
0x5b: {  	_ =	swait.ge [sflag:s23], $0x3E80  }
0x5c: {  	[sflag:s23] =	ssyncset.done $0x0  }
0x5d: {  	[sflag:s23] =	ssyncadd.s32 $0xFFFFC180  }
0x5e: {  	[spmem:s2] =	stream.indirect.scatter.add.f32 [tilespmem:s18], [sflag:$0x5], $0x80, s16, s17, $0xb8;
	[tilespmem:$0x1E500] =	vst v63  }
0x5f: {  	_ =	swait.ge [sflag:s15], $0x3E80  }
0x60: {  	[sflag:s15] =	ssyncset.done $0x0  }
0x61: {  	[sflag:s15] =	ssyncadd.s32 $0xFFFFC180  }
0x62: {  	_ =	swait.ge [sflag:s24], $0x80  }
0x63: {  	[sflag:s24] =	ssyncset.done $0x0  }
0x64: {  	[sflag:s24] =	ssyncadd.s32 $0xFFFFFF80  }
0x65: {  	_ =	swait.ge [sflag:s25], $0x3E80  }
0x66: {  	[sflag:s25] =	ssyncset.done $0x0  }
0x67: {  	[sflag:s25] =	ssyncadd.s32 $0xFFFFC180  }
0x68: {  	[spmem:s2] =	stream.indirect.scatter.add.f32 [tilespmem:s21], [sflag:$0x5], $0x80, s19, s17, $0xb8;
	[tilespmem:$0x1E500] =	vst v63  }
0x69: {  	_ =	swait.ge [sflag:s15], $0x3E80  }
0x6a: {  	s26 =	sadd.s32 $0x1, s26;
	[sflag:s15] =	ssyncset.done $0x0  }
0x6b: {  	p0 =	sne.s32 s26, s13;
	[sflag:s15] =	ssyncadd.s32 $0xFFFFC180  }
.Ltmp1:
0x6c: {  	[bflag:$0x0] =	sbarrier.arrive $0xFFFF;
	(pc) =	sbr.rel @p0 .LBB2_1-.Ltmp1, $4  }
0x6d: {  	[hbm:s12], [sflag:s9] =	dma.local [spmem:s14], $0x2780  }
0x6e: {  	_ =	swait.ge [sflag:s15], $0x2780  }
0x6f: {  	[sflag:s15] =	ssyncset.done $0x0  }
0x70: {  	[sflag:s15] =	ssyncadd.s32 $0xFFFFD880  }
0x71: {  	_ =	sfence.sel $0x180000  }
0x72: {  	[bflag:$0x0] =	sbarrier.arrive $0xFFFF  }
0x73: {  	_ =	strace $0x90000050  }
0x74: {  	s0 =	stileid.u32;
	[bflag:$0x2] =	sbarrier.arrive $0xFFFF  }
0x75: {  	p0 =	sne.s32 s0, $0x0;
	s0 =	rddreg [dreg:$0x2]  }
0x76: {  	s0 =	sadd.s32 @!p0 $0x100000, s0  }
0x77: {  	[sflag:s0] =	ssyncadd.tile.s32 @!p0 $0x1;
	_ =	shalt  }
.Lfunc_end2:
_tile_overlayer_lowered:
.L_overlay_start_2:
0x78: {  	(tag) =	ssettag $0x2  }
0x79: {  	s0 =	rddreg [dreg:$0x0];
	s2 =	stileid.u32  }
0x7a: {  	s1 =	rddreg [dreg:$0x1];
	p0 =	sne.s32 s2, $0x0  }
0x7b: {  	s3 =	rddreg [dreg:$0x2];
	[bflag:$0x3] =	sbarrier.arrive $0xFFFF;
	s2 =	simm.s32 @!p0 $0x1C05  }
0x7c: {  	[timem:s3], [sflag:s2] =	dma.local @!p0 [hbm:s0], s1  }
0x7d: {  	s0 =	simm.s32 @!p0 $0x5  }
0x7e: {  	_ =	swait.ge @!p0 [sflag:s0], s1  }
0x7f: {  	s1 =	ssub.s32 @!p0 $0x0, s1;
	[sflag:s0] =	ssyncset.done @!p0 $0x0  }
0x80: {  	[sflag:s0] =	ssyncadd.s32 @!p0 s1  }
0x81: {  	[bflag:$0x3] =	sbarrier.arrive $0xFFFF  }
0x82: {  	_ =	shalt  }

</sc_bundles>
